<compile_context>
chip_gen: v7x
topology: tpu7x:2x2x1
jax: 0.10.2.dev20260603
libtpu: 0.0.44.dev20260713+nightly
codegen_flags: <defaults>
</compile_context>

<pallas_src>
import functools

import jax
import jax.numpy as jnp
from jax import lax
from jax.experimental import pallas as pl
from jax.experimental.pallas import tpu as pltpu
from jax.experimental.pallas import tpu_sc as plsc

N_USERS = 100000
N_ITEMS = 100000
D = 64
B = 4096
L = 50
LP = 56
NW = 32
ROWS_W = B // NW
CHUNK = 2
NCHUNK = ROWS_W // CHUNK


def _proj_body(u_ref, w1_ref, r_ref, w2_ref, bh_ref, pu_ref, prb_ref):
    pu_ref[...] = jnp.dot(u_ref[...], w1_ref[...],
                          preferred_element_type=jnp.float32
                          ).astype(jnp.bfloat16)
    prb_ref[...] = (jnp.dot(r_ref[...], w2_ref[...],
                            preferred_element_type=jnp.float32)
                    + bh_ref[...]).astype(jnp.bfloat16)


def _project_tables(u2e, wh1, r2e_pad, wh2, bh_row):
    blk = 4000
    grid = N_USERS // blk
    return pl.pallas_call(
        _proj_body,
        grid=(grid,),
        in_specs=[
            pl.BlockSpec((blk, D), lambda i: (i, 0)),
            pl.BlockSpec((D, D), lambda i: (0, 0)),
            pl.BlockSpec((8, D), lambda i: (0, 0)),
            pl.BlockSpec((D, D), lambda i: (0, 0)),
            pl.BlockSpec((1, D), lambda i: (0, 0)),
        ],
        out_specs=[
            pl.BlockSpec((blk, D), lambda i: (i, 0)),
            pl.BlockSpec((8, D), lambda i: (0, 0)),
        ],
        out_shape=[
            jax.ShapeDtypeStruct((N_USERS, D), jnp.bfloat16),
            jax.ShapeDtypeStruct((8, D), jnp.bfloat16),
        ],
    )(u2e, wh1, r2e_pad, wh2, bh_row)


def _sc_body(pu_hbm, v2e_hbm, prb_hbm, idxh_hbm, idxr_hbm, idxa_hbm, nodes_hbm,
             hist_out_hbm, adj_out_hbm, self_out_hbm,
             idxh_v, idxr_v, idxa_v, idxn_v, prb_v,
             hbuf0, hbuf1, abuf0, abuf1, sbuf, hist_o, adj_o,
             semh0, semh1, sema0, sema1, sems):
    wid = lax.axis_index("s") * 2 + lax.axis_index("c")
    row0 = wid * ROWS_W

    pltpu.sync_copy(idxh_hbm.at[pl.ds(wid * (ROWS_W // CHUNK), NCHUNK)], idxh_v)
    pltpu.sync_copy(idxa_hbm.at[pl.ds(wid * (ROWS_W // CHUNK), NCHUNK)], idxa_v)
    pltpu.sync_copy(idxr_hbm.at[pl.ds(wid * (ROWS_W // CHUNK), NCHUNK)], idxr_v)
    pltpu.sync_copy(nodes_hbm.at[pl.ds(row0, ROWS_W)], idxn_v)
    pltpu.sync_copy(prb_hbm, prb_v)

    self_cp = pltpu.async_copy(v2e_hbm.at[idxn_v], sbuf, sems)

    inv_l = jnp.float32(1.0 / L)
    zero = jnp.zeros((16,), jnp.float32)
    bf16 = jnp.bfloat16
    ilv = plsc.PackFormat.INTERLEAVED

    def unpk(w):
        return plsc.unpack(plsc.bitcast(w, bf16), format=ilv,
                           preferred_element_type=jnp.float32)

    def issue(c, hb, ab, sh, sa):
        pltpu.async_copy(pu_hbm.at[idxh_v.at[c]], hb, sh)
        pltpu.async_copy(v2e_hbm.at[idxa_v.at[c]], ab, sa)

    def wait(c, hb, ab, sh, sa):
        pltpu.make_async_copy(pu_hbm.at[idxh_v.at[c]], hb, sh).wait()
        pltpu.make_async_copy(v2e_hbm.at[idxa_v.at[c]], ab, sa).wait()

    iota16 = lax.iota(jnp.int32, 16)
    cjs = [iota16 + 16 * j for j in range(2)]

    def compute_chunk(c, hbuf, abuf):
        for r2 in range(CHUNK):
            row_l = c * CHUNK + r2

            @plsc.parallel_loop(r2 * LP, r2 * LP + L, carry=(zero,) * 8,
                                unroll=2)
            def accs(o, acc):
                grp = (o // 16) * 16
                lane = o - grp
                rgrp = idxr_v[c, pl.ds(pl.multiple_of(grp, 8), 16)]
                r32 = rgrp.at[jnp.full((16,), lane, jnp.int32)].get(
                    mode="promise_in_bounds")
                new = list(acc)
                for j in range(2):
                    ge, go = unpk(hbuf[o, pl.ds(16 * j, 16)])
                    pe, po = unpk(plsc.load_gather(prb_v, [r32 + cjs[j]]))
                    ae, ao = unpk(abuf[o, pl.ds(16 * j, 16)])
                    new[2 * j] = acc[2 * j] + jnp.maximum(ge + pe, 0.0)
                    new[2 * j + 1] = acc[2 * j + 1] + jnp.maximum(go + po, 0.0)
                    new[4 + 2 * j] = acc[4 + 2 * j] + ae
                    new[5 + 2 * j] = acc[5 + 2 * j] + ao
                return tuple(new)

            for j in range(2):
                hist_o[row_l, pl.ds(16 * j, 16)] = plsc.bitcast(
                    plsc.pack(accs[2 * j] * inv_l, accs[2 * j + 1] * inv_l,
                              format=ilv), jnp.int32)
                adj_o[row_l, pl.ds(16 * j, 16)] = plsc.bitcast(
                    plsc.pack(accs[4 + 2 * j] * inv_l, accs[5 + 2 * j] * inv_l,
                              format=ilv), jnp.int32)

    issue(0, hbuf0, abuf0, semh0, sema0)

    def pair_loop(i, carry):
        c0 = 2 * i
        c1 = 2 * i + 1
        issue(c1, hbuf1, abuf1, semh1, sema1)
        wait(c0, hbuf0, abuf0, semh0, sema0)
        compute_chunk(c0, hbuf0, abuf0)

        @pl.when(c1 + 1 < NCHUNK)
        def _():
            issue(c1 + 1, hbuf0, abuf0, semh0, sema0)

        wait(c1, hbuf1, abuf1, semh1, sema1)
        compute_chunk(c1, hbuf1, abuf1)
        return carry

    lax.fori_loop(0, NCHUNK // 2, pair_loop, 0)

    self_cp.wait()
    pltpu.sync_copy(sbuf, self_out_hbm.at[pl.ds(row0, ROWS_W)])
    pltpu.sync_copy(hist_o, hist_out_hbm.at[pl.ds(row0, ROWS_W)])
    pltpu.sync_copy(adj_o, adj_out_hbm.at[pl.ds(row0, ROWS_W)])


def _sc_gather_agg(pu, v2e, prb, idxh, idxr, idxa, nodes):
    mesh = plsc.VectorSubcoreMesh(core_axis_name="c", subcore_axis_name="s")
    f32 = jnp.float32
    kern = functools.partial(
        pl.kernel,
        mesh=mesh,
        compiler_params=pltpu.CompilerParams(use_tc_tiling_on_sc=False,
                                             needs_layout_passes=False),
        out_type=[
            jax.ShapeDtypeStruct((B, D // 2), jnp.int32),
            jax.ShapeDtypeStruct((B, D // 2), jnp.int32),
            jax.ShapeDtypeStruct((B, D // 2), jnp.int32),
        ],
        scratch_types=[
            pltpu.VMEM((NCHUNK, CHUNK * LP), jnp.int32),
            pltpu.VMEM((NCHUNK, CHUNK * LP), jnp.int32),
            pltpu.VMEM((NCHUNK, CHUNK * LP), jnp.int32),
            pltpu.VMEM((ROWS_W,), jnp.int32),
            pltpu.VMEM((8 * (D // 2),), jnp.int32),
            pltpu.VMEM((CHUNK * LP, D // 2), jnp.int32),
            pltpu.VMEM((CHUNK * LP, D // 2), jnp.int32),
            pltpu.VMEM((CHUNK * LP, D // 2), jnp.int32),
            pltpu.VMEM((CHUNK * LP, D // 2), jnp.int32),
            pltpu.VMEM((ROWS_W, D // 2), jnp.int32),
            pltpu.VMEM((ROWS_W, D // 2), jnp.int32),
            pltpu.VMEM((ROWS_W, D // 2), jnp.int32),
            pltpu.SemaphoreType.DMA,
            pltpu.SemaphoreType.DMA,
            pltpu.SemaphoreType.DMA,
            pltpu.SemaphoreType.DMA,
            pltpu.SemaphoreType.DMA,
        ],
    )(_sc_body)
    return kern(pu, v2e, prb, idxh, idxr, idxa, nodes)


def _combine_body(self_ref, hist_ref, adj_ref, ws_ref, bs_ref,
                  w1a_ref, w1b_ref, b1_ref, out_ref):
    adj = adj_ref[...].astype(jnp.float32)
    hist = hist_ref[...].astype(jnp.float32)
    selff = self_ref[...].astype(jnp.float32)
    soc = jnp.maximum(
        jnp.dot(adj, ws_ref[...], preferred_element_type=jnp.float32)
        + bs_ref[...], 0.0)
    neigh = 0.5 * (hist + soc)
    out = (jnp.dot(selff, w1a_ref[...], preferred_element_type=jnp.float32)
           + jnp.dot(neigh, w1b_ref[...], preferred_element_type=jnp.float32)
           + b1_ref[...])
    out_ref[...] = jnp.maximum(out, 0.0)


def _combine(self_feats, hist_agg, adj_mean, Ws, bs_row, w1a, w1b, b1_row):
    return pl.pallas_call(
        _combine_body,
        out_shape=jax.ShapeDtypeStruct((B, D), jnp.float32),
    )(self_feats, hist_agg, adj_mean, Ws, bs_row, w1a, w1b, b1_row)


def kernel(nodes, nodes_target, hist_uv, hist_r, adj, u2e, v2e, r2e,
           Wh, bh, Ws, bs, W1, b1):
    del nodes_target

    wh1 = Wh[:D]
    wh2 = Wh[D:]
    w1a = W1[:D]
    w1b = W1[D:]
    r2e_pad = jnp.concatenate(
        [r2e, jnp.zeros((8 - r2e.shape[0], D), jnp.float32)], axis=0)
    bh_row = bh.reshape(1, D)
    bs_row = bs.reshape(1, D)
    b1_row = b1.reshape(1, D)

    pu, prb = _project_tables(u2e, wh1, r2e_pad, wh2, bh_row)

    def pad_lp(a):
        a = a.astype(jnp.int32)
        return jnp.pad(a, ((0, 0), (0, LP - L)))

    idxh = pad_lp(hist_uv).reshape(B // CHUNK, CHUNK * LP)
    idxa = pad_lp(adj).reshape(B // CHUNK, CHUNK * LP)
    idxr = (pad_lp(hist_r) * (D // 2)).reshape(B // CHUNK, CHUNK * LP)
    nodes_i = nodes.astype(jnp.int32)

    def to_i32(x_bf):
        return jax.lax.bitcast_convert_type(
            x_bf.reshape(x_bf.shape[0], D // 2, 2), jnp.int32)

    def from_i32(x_i32):
        return jax.lax.bitcast_convert_type(
            x_i32, jnp.bfloat16).reshape(x_i32.shape[0], D)

    hist_i, adj_i, self_i = _sc_gather_agg(
        to_i32(pu), to_i32(v2e.astype(jnp.bfloat16)), to_i32(prb).reshape(-1),
        idxh, idxr, idxa, nodes_i)

    return _combine(from_i32(self_i), from_i32(hist_i), from_i32(adj_i),
                    Ws, bs_row, w1a, w1b, b1_row)

# --- scband reference (transcript-rebuilt; emitter-appended) ---
"""Pipeline reference for scband-node-encoder-20263655702658 (READ-ONLY COPY).

The authoritative reference and input builder live on the scoring server;
editing this copy changes nothing except your own understanding.
"""

import jax, jax.numpy as jnp
import numpy as np

N_USERS = 100000
N_ITEMS = 100000
N_RATINGS = 5
D = 64
B = 4096
L = 50

def setup_inputs(seed: int = 0) -> dict:
    key = jax.random.key(seed)
    ks = jax.random.split(key, 16)
    nodes = jax.random.randint(ks[0], (B,), 0, N_ITEMS)
    nodes_target = jax.random.randint(ks[1], (B,), 0, N_USERS)
    hist_uv = jax.random.randint(ks[2], (B, L), 0, N_USERS)
    hist_r = jax.random.randint(ks[3], (B, L), 0, N_RATINGS)
    adj = jax.random.randint(ks[4], (B, L), 0, N_ITEMS)
    u2e = jax.random.normal(ks[5], (N_USERS, D), dtype=jnp.float32) * 0.05
    v2e = jax.random.normal(ks[6], (N_ITEMS, D), dtype=jnp.float32) * 0.05
    r2e = jax.random.normal(ks[7], (N_RATINGS, D), dtype=jnp.float32) * 0.05
    Wh = jax.random.normal(ks[8], (2 * D, D), dtype=jnp.float32) * (1.0 / np.sqrt(2 * D))
    bh = jnp.zeros((D,), dtype=jnp.float32)
    Ws = jax.random.normal(ks[9], (D, D), dtype=jnp.float32) * (1.0 / np.sqrt(D))
    bs = jnp.zeros((D,), dtype=jnp.float32)
    W1 = jax.random.normal(ks[10], (2 * D, D), dtype=jnp.float32) * (1.0 / np.sqrt(2 * D))
    b1 = jnp.zeros((D,), dtype=jnp.float32)
    return {"nodes": nodes, "nodes_target": nodes_target, "hist_uv": hist_uv,
            "hist_r": hist_r, "adj": adj, "u2e": u2e, "v2e": v2e, "r2e": r2e,
            "Wh": Wh, "bh": bh, "Ws": Ws, "bs": bs, "W1": W1, "b1": b1}

def reference(nodes, nodes_target, hist_uv, hist_r, adj, u2e, v2e, r2e, Wh, bh, Ws, bs, W1, b1):
    # uv == True branch: items are the nodes; self feats from item table,
    # target feats from user table; history is interacting users + ratings;
    # adj is item-item neighbor list.
    self_feats = jnp.take(v2e, nodes, axis=0)              # [B, D]  gather
    target_feats = jnp.take(u2e, nodes_target, axis=0)     # [B, D]  gather (passed to aggregator)
    # --- aggregator: interaction-history aggregation (user + rating embeds) ---
    hist_feats = jnp.take(u2e, hist_uv, axis=0)            # [B, L, D] gather
    r_feats = jnp.take(r2e, hist_r, axis=0)                # [B, L, D] gather
    hr = jnp.concatenate([hist_feats, r_feats], axis=-1)   # [B, L, 2D]
    hr = jax.nn.relu(hr @ Wh + bh)                         # [B, L, D]
    hist_agg = jnp.mean(hr, axis=1)                        # [B, D]
    # --- aggregator: graph-neighbor (social/item-adj) aggregation ---
    adj_feats = jnp.take(v2e, adj, axis=0)                 # [B, L, D] gather
    adj_mean = jnp.mean(adj_feats, axis=1)                 # [B, D]
    soc_agg = jax.nn.relu(adj_mean @ Ws + bs)              # [B, D]
    neigh_feats = 0.5 * (hist_agg + soc_agg)               # [B, D]
    # --- encoder combine ---
    combined = jnp.concatenate([self_feats, neigh_feats], axis=-1)  # [B, 2D]
    out = jax.nn.relu(combined @ W1 + b1)                  # [B, D]
    return out

if __name__ == "__main__":
    import jax
    _d = setup_inputs()
    print(jax.jit(kernel)(*tuple(_d.values())))

</pallas_src>

<mosaic_0001>
#map = affine_map<(d0, d1) -> (0, 0)>
#map1 = affine_map<(d0, d1) -> (0)>
module attributes {stable_mosaic.version = 14 : i64} {
  func.func @_sc_body(%arg0: i32, %arg1: i32, %arg2: memref<100000x32xi32, #tpu.memory_space<hbm>>, %arg3: memref<100000x32xi32, #tpu.memory_space<hbm>>, %arg4: memref<256xi32, #tpu.memory_space<hbm>>, %arg5: memref<2048x112xi32, #tpu.memory_space<hbm>>, %arg6: memref<2048x112xi32, #tpu.memory_space<hbm>>, %arg7: memref<2048x112xi32, #tpu.memory_space<hbm>>, %arg8: memref<4096xi32, #tpu.memory_space<hbm>>, %arg9: memref<4096x32xi32, #tpu.memory_space<hbm>>, %arg10: memref<4096x32xi32, #tpu.memory_space<hbm>>, %arg11: memref<4096x32xi32, #tpu.memory_space<hbm>>, %arg12: memref<64x112xi32, #tpu.memory_space<vmem>>, %arg13: memref<64x112xi32, #tpu.memory_space<vmem>>, %arg14: memref<64x112xi32, #tpu.memory_space<vmem>>, %arg15: memref<128xi32, #tpu.memory_space<vmem>>, %arg16: memref<256xi32, #tpu.memory_space<vmem>>, %arg17: memref<112x32xi32, #tpu.memory_space<vmem>>, %arg18: memref<112x32xi32, #tpu.memory_space<vmem>>, %arg19: memref<112x32xi32, #tpu.memory_space<vmem>>, %arg20: memref<112x32xi32, #tpu.memory_space<vmem>>, %arg21: memref<128x32xi32, #tpu.memory_space<vmem>>, %arg22: memref<128x32xi32, #tpu.memory_space<vmem>>, %arg23: memref<128x32xi32, #tpu.memory_space<vmem>>, %arg24: memref<!tpu.dma_semaphore, #tpu.memory_space<semaphore_mem>>, %arg25: memref<!tpu.dma_semaphore, #tpu.memory_space<semaphore_mem>>, %arg26: memref<!tpu.dma_semaphore, #tpu.memory_space<semaphore_mem>>, %arg27: memref<!tpu.dma_semaphore, #tpu.memory_space<semaphore_mem>>, %arg28: memref<!tpu.dma_semaphore, #tpu.memory_space<semaphore_mem>>) attributes {dimension_semantics = [#tpu.dimension_semantics<core_parallel>, #tpu.dimension_semantics<subcore_parallel>], iteration_bounds = array<i64: 2, 16>, scalar_prefetch = 0 : i64, scratch_operands = 17 : i64, tpu.core_type = #tpu.core_type<sc_vector_subcore>, window_params = [{transform_indices = #map}, {transform_indices = #map}, {transform_indices = #map1}, {transform_indices = #map}, {transform_indices = #map}, {transform_indices = #map}, {transform_indices = #map1}, {transform_indices = #map}, {transform_indices = #map}, {transform_indices = #map}]} {
    %mul3A = arith.constant 2 : i32
    %mul3A_0 = arith.muli %arg1, %mul3A : i32
    %add3A = arith.addi %mul3A_0, %arg0 : i32
    %mul3A_1 = arith.constant 128 : i32
    %mul3A_2 = arith.muli %add3A, %mul3A_1 : i32
    %mul3A_3 = arith.constant 64 : i32
    %mul3A_4 = arith.muli %add3A, %mul3A_3 : i32
    "tpu.region"() ({
      %run_scoped3A = tpu.sem_alloc : memref<!tpu.dma_semaphore, #tpu.memory_space<semaphore_mem>>
      %dma_start3A_40 = arith.constant 0 : i32
      %dma_start3A_41 = tpu.memref_slice %arg5[%mul3A_4, %dma_start3A_40] : memref<2048x112xi32, #tpu.memory_space<hbm>> -> memref<64x112xi32, #tpu.memory_space<hbm>>
      %dma_start3A_42 = arith.constant 0 : i32
      %dma_start3A_43 = tpu.memref_slice %arg5[%mul3A_4, %dma_start3A_42] : memref<2048x112xi32, #tpu.memory_space<hbm>> -> memref<64x112xi32, #tpu.memory_space<hbm>>
      tpu.enqueue_dma source(%dma_start3A_43 : memref<64x112xi32, #tpu.memory_space<hbm>>) target(%arg12 : memref<64x112xi32, #tpu.memory_space<vmem>>) target_semaphore(%run_scoped3A : memref<!tpu.dma_semaphore, #tpu.memory_space<semaphore_mem>>)
      %dma_wait3A_44 = arith.constant 0 : i32
      %dma_wait3A_45 = tpu.memref_slice %arg5[%mul3A_4, %dma_wait3A_44] : memref<2048x112xi32, #tpu.memory_space<hbm>> -> memref<64x112xi32, #tpu.memory_space<hbm>>
      %dma_wait3A_46 = arith.constant 0 : i32
      %dma_wait3A_47 = tpu.memref_slice %arg5[%mul3A_4, %dma_wait3A_46] : memref<2048x112xi32, #tpu.memory_space<hbm>> -> memref<64x112xi32, #tpu.memory_space<hbm>>
      tpu.wait_dma2 semaphore(%run_scoped3A : memref<!tpu.dma_semaphore, #tpu.memory_space<semaphore_mem>>) src(%dma_wait3A_47 : memref<64x112xi32, #tpu.memory_space<hbm>>) dst(%arg12 : memref<64x112xi32, #tpu.memory_space<vmem>>)
      tpu.yield
    }) : () -> ()
    %mul3A_5 = arith.constant 64 : i32
    %mul3A_6 = arith.muli %add3A, %mul3A_5 : i32
    "tpu.region"() ({
      %run_scoped3A = tpu.sem_alloc : memref<!tpu.dma_semaphore, #tpu.memory_space<semaphore_mem>>
      %dma_start3A_40 = arith.constant 0 : i32
      %dma_start3A_41 = tpu.memref_slice %arg7[%mul3A_6, %dma_start3A_40] : memref<2048x112xi32, #tpu.memory_space<hbm>> -> memref<64x112xi32, #tpu.memory_space<hbm>>
      %dma_start3A_42 = arith.constant 0 : i32
      %dma_start3A_43 = tpu.memref_slice %arg7[%mul3A_6, %dma_start3A_42] : memref<2048x112xi32, #tpu.memory_space<hbm>> -> memref<64x112xi32, #tpu.memory_space<hbm>>
      tpu.enqueue_dma source(%dma_start3A_43 : memref<64x112xi32, #tpu.memory_space<hbm>>) target(%arg14 : memref<64x112xi32, #tpu.memory_space<vmem>>) target_semaphore(%run_scoped3A : memref<!tpu.dma_semaphore, #tpu.memory_space<semaphore_mem>>)
      %dma_wait3A_44 = arith.constant 0 : i32
      %dma_wait3A_45 = tpu.memref_slice %arg7[%mul3A_6, %dma_wait3A_44] : memref<2048x112xi32, #tpu.memory_space<hbm>> -> memref<64x112xi32, #tpu.memory_space<hbm>>
      %dma_wait3A_46 = arith.constant 0 : i32
      %dma_wait3A_47 = tpu.memref_slice %arg7[%mul3A_6, %dma_wait3A_46] : memref<2048x112xi32, #tpu.memory_space<hbm>> -> memref<64x112xi32, #tpu.memory_space<hbm>>
      tpu.wait_dma2 semaphore(%run_scoped3A : memref<!tpu.dma_semaphore, #tpu.memory_space<semaphore_mem>>) src(%dma_wait3A_47 : memref<64x112xi32, #tpu.memory_space<hbm>>) dst(%arg14 : memref<64x112xi32, #tpu.memory_space<vmem>>)
      tpu.yield
    }) : () -> ()
    %mul3A_7 = arith.constant 64 : i32
    %mul3A_8 = arith.muli %add3A, %mul3A_7 : i32
    "tpu.region"() ({
      %run_scoped3A = tpu.sem_alloc : memref<!tpu.dma_semaphore, #tpu.memory_space<semaphore_mem>>
      %dma_start3A_40 = arith.constant 0 : i32
      %dma_start3A_41 = tpu.memref_slice %arg6[%mul3A_8, %dma_start3A_40] : memref<2048x112xi32, #tpu.memory_space<hbm>> -> memref<64x112xi32, #tpu.memory_space<hbm>>
      %dma_start3A_42 = arith.constant 0 : i32
      %dma_start3A_43 = tpu.memref_slice %arg6[%mul3A_8, %dma_start3A_42] : memref<2048x112xi32, #tpu.memory_space<hbm>> -> memref<64x112xi32, #tpu.memory_space<hbm>>
      tpu.enqueue_dma source(%dma_start3A_43 : memref<64x112xi32, #tpu.memory_space<hbm>>) target(%arg13 : memref<64x112xi32, #tpu.memory_space<vmem>>) target_semaphore(%run_scoped3A : memref<!tpu.dma_semaphore, #tpu.memory_space<semaphore_mem>>)
      %dma_wait3A_44 = arith.constant 0 : i32
      %dma_wait3A_45 = tpu.memref_slice %arg6[%mul3A_8, %dma_wait3A_44] : memref<2048x112xi32, #tpu.memory_space<hbm>> -> memref<64x112xi32, #tpu.memory_space<hbm>>
      %dma_wait3A_46 = arith.constant 0 : i32
      %dma_wait3A_47 = tpu.memref_slice %arg6[%mul3A_8, %dma_wait3A_46] : memref<2048x112xi32, #tpu.memory_space<hbm>> -> memref<64x112xi32, #tpu.memory_space<hbm>>
      tpu.wait_dma2 semaphore(%run_scoped3A : memref<!tpu.dma_semaphore, #tpu.memory_space<semaphore_mem>>) src(%dma_wait3A_47 : memref<64x112xi32, #tpu.memory_space<hbm>>) dst(%arg13 : memref<64x112xi32, #tpu.memory_space<vmem>>)
      tpu.yield
    }) : () -> ()
    "tpu.region"() ({
      %run_scoped3A = tpu.sem_alloc : memref<!tpu.dma_semaphore, #tpu.memory_space<semaphore_mem>>
      %dma_start3A_40 = tpu.memref_slice %arg8[%mul3A_2] : memref<4096xi32, #tpu.memory_space<hbm>> -> memref<128xi32, #tpu.memory_space<hbm>>
      %dma_start3A_41 = tpu.memref_slice %arg8[%mul3A_2] : memref<4096xi32, #tpu.memory_space<hbm>> -> memref<128xi32, #tpu.memory_space<hbm>>
      tpu.enqueue_dma source(%dma_start3A_41 : memref<128xi32, #tpu.memory_space<hbm>>) target(%arg15 : memref<128xi32, #tpu.memory_space<vmem>>) target_semaphore(%run_scoped3A : memref<!tpu.dma_semaphore, #tpu.memory_space<semaphore_mem>>)
      %dma_wait3A_42 = tpu.memref_slice %arg8[%mul3A_2] : memref<4096xi32, #tpu.memory_space<hbm>> -> memref<128xi32, #tpu.memory_space<hbm>>
      %dma_wait3A_43 = tpu.memref_slice %arg8[%mul3A_2] : memref<4096xi32, #tpu.memory_space<hbm>> -> memref<128xi32, #tpu.memory_space<hbm>>
      tpu.wait_dma2 semaphore(%run_scoped3A : memref<!tpu.dma_semaphore, #tpu.memory_space<semaphore_mem>>) src(%dma_wait3A_43 : memref<128xi32, #tpu.memory_space<hbm>>) dst(%arg15 : memref<128xi32, #tpu.memory_space<vmem>>)
      tpu.yield
    }) : () -> ()
    "tpu.region"() ({
      %run_scoped3A = tpu.sem_alloc : memref<!tpu.dma_semaphore, #tpu.memory_space<semaphore_mem>>
      tpu.enqueue_dma source(%arg4 : memref<256xi32, #tpu.memory_space<hbm>>) target(%arg16 : memref<256xi32, #tpu.memory_space<vmem>>) target_semaphore(%run_scoped3A : memref<!tpu.dma_semaphore, #tpu.memory_space<semaphore_mem>>)
      tpu.wait_dma2 semaphore(%run_scoped3A : memref<!tpu.dma_semaphore, #tpu.memory_space<semaphore_mem>>) src(%arg4 : memref<256xi32, #tpu.memory_space<hbm>>) dst(%arg16 : memref<256xi32, #tpu.memory_space<vmem>>)
      tpu.yield
    }) : () -> ()
    %dma_start3A = arith.constant 0 : i32
    %dma_start3A_9 = arith.constant 0 : i32
    %dma_start3A_10 = tpu.memref_slice %arg3[%dma_start3A, %dma_start3A_9] : memref<100000x32xi32, #tpu.memory_space<hbm>> -> memref<100000x32xi32, #tpu.memory_space<hbm>>
    tpu.enqueue_indirect_dma source(%dma_start3A_10 : memref<100000x32xi32, #tpu.memory_space<hbm>>) target(%arg21 : memref<128x32xi32, #tpu.memory_space<vmem>>) offsets(%arg15 : memref<128xi32, #tpu.memory_space<vmem>>) semaphore(%arg28 : memref<!tpu.dma_semaphore, #tpu.memory_space<semaphore_mem>>)
    %broadcast_in_dim3A = arith.constant 0.000000e+00 : f32
    %broadcast_in_dim3A_11 = vector.broadcast %broadcast_in_dim3A : f32 to vector<16xf32>
    %iota3A = tpu.iota {dimensions = array<i32: 0>} : vector<16xi32>
    %add3A_12 = arith.constant 0 : i32
    %add3A_13 = vector.broadcast %add3A_12 : i32 to vector<16xi32>
    %add3A_14 = arith.addi %iota3A, %add3A_13 : vector<16xi32>
    %add3A_15 = arith.constant 16 : i32
    %add3A_16 = vector.broadcast %add3A_15 : i32 to vector<16xi32>
    %add3A_17 = arith.addi %iota3A, %add3A_16 : vector<16xi32>
    %dma_start3A_18 = arith.constant 0 : i32
    %dma_start3A_19 = arith.constant 0 : i32
    %dma_start3A_20 = tpu.memref_slice %arg12[%dma_start3A_18, %dma_start3A_19] : memref<64x112xi32, #tpu.memory_space<vmem>> -> memref<1x112xi32, #tpu.memory_space<vmem>>
    %dma_start3A_21 = tpu.memref_squeeze %dma_start3A_20 : memref<1x112xi32, #tpu.memory_space<vmem>> -> memref<112xi32, #tpu.memory_space<vmem>>
    %dma_start3A_22 = arith.constant 0 : i32
    %dma_start3A_23 = arith.constant 0 : i32
    %dma_start3A_24 = tpu.memref_slice %arg2[%dma_start3A_22, %dma_start3A_23] : memref<100000x32xi32, #tpu.memory_space<hbm>> -> memref<100000x32xi32, #tpu.memory_space<hbm>>
    tpu.enqueue_indirect_dma source(%dma_start3A_24 : memref<100000x32xi32, #tpu.memory_space<hbm>>) target(%arg17 : memref<112x32xi32, #tpu.memory_space<vmem>>) offsets(%dma_start3A_21 : memref<112xi32, #tpu.memory_space<vmem>>) semaphore(%arg24 : memref<!tpu.dma_semaphore, #tpu.memory_space<semaphore_mem>>)
    %dma_start3A_25 = arith.constant 0 : i32
    %dma_start3A_26 = arith.constant 0 : i32
    %dma_start3A_27 = tpu.memref_slice %arg14[%dma_start3A_25, %dma_start3A_26] : memref<64x112xi32, #tpu.memory_space<vmem>> -> memref<1x112xi32, #tpu.memory_space<vmem>>
    %dma_start3A_28 = tpu.memref_squeeze %dma_start3A_27 : memref<1x112xi32, #tpu.memory_space<vmem>> -> memref<112xi32, #tpu.memory_space<vmem>>
    %dma_start3A_29 = arith.constant 0 : i32
    %dma_start3A_30 = arith.constant 0 : i32
    %dma_start3A_31 = tpu.memref_slice %arg3[%dma_start3A_29, %dma_start3A_30] : memref<100000x32xi32, #tpu.memory_space<hbm>> -> memref<100000x32xi32, #tpu.memory_space<hbm>>
    tpu.enqueue_indirect_dma source(%dma_start3A_31 : memref<100000x32xi32, #tpu.memory_space<hbm>>) target(%arg19 : memref<112x32xi32, #tpu.memory_space<vmem>>) offsets(%dma_start3A_28 : memref<112xi32, #tpu.memory_space<vmem>>) semaphore(%arg26 : memref<!tpu.dma_semaphore, #tpu.memory_space<semaphore_mem>>)
    %scan3A = arith.constant 0 : i32
    %scan3A_32 = arith.constant 2.000000e-02 : f32
    %scan3A_33 = arith.constant 0 : i32
    %scan3A_34 = arith.constant 32 : i32
    %scan3A_35 = arith.addi %scan3A_33, %scan3A_34 : i32
    %scan3A_36 = arith.constant 1 : i32
    scf.for %scan3A_40 = %scan3A_33 to %scan3A_35 step %scan3A_36  : i32 {
      %mul3A_41 = arith.constant 2 : i32
      %mul3A_42 = arith.muli %mul3A_41, %scan3A_40 : i32
      %mul3A_43 = arith.constant 2 : i32
      %mul3A_44 = arith.muli %mul3A_43, %scan3A_40 : i32
      %add3A_45 = arith.constant 1 : i32
      %add3A_46 = arith.addi %mul3A_44, %add3A_45 : i32
      %dma_start3A_47 = arith.constant 0 : i32
      %dma_start3A_48 = tpu.memref_slice %arg12[%add3A_46, %dma_start3A_47] : memref<64x112xi32, #tpu.memory_space<vmem>> -> memref<1x112xi32, #tpu.memory_space<vmem>>
      %dma_start3A_49 = tpu.memref_squeeze %dma_start3A_48 : memref<1x112xi32, #tpu.memory_space<vmem>> -> memref<112xi32, #tpu.memory_space<vmem>>
      %dma_start3A_50 = arith.constant 0 : i32
      %dma_start3A_51 = arith.constant 0 : i32
      %dma_start3A_52 = tpu.memref_slice %arg2[%dma_start3A_50, %dma_start3A_51] : memref<100000x32xi32, #tpu.memory_space<hbm>> -> memref<100000x32xi32, #tpu.memory_space<hbm>>
      tpu.enqueue_indirect_dma source(%dma_start3A_52 : memref<100000x32xi32, #tpu.memory_space<hbm>>) target(%arg18 : memref<112x32xi32, #tpu.memory_space<vmem>>) offsets(%dma_start3A_49 : memref<112xi32, #tpu.memory_space<vmem>>) semaphore(%arg25 : memref<!tpu.dma_semaphore, #tpu.memory_space<semaphore_mem>>)
      %dma_start3A_53 = arith.constant 0 : i32
      %dma_start3A_54 = tpu.memref_slice %arg14[%add3A_46, %dma_start3A_53] : memref<64x112xi32, #tpu.memory_space<vmem>> -> memref<1x112xi32, #tpu.memory_space<vmem>>
      %dma_start3A_55 = tpu.memref_squeeze %dma_start3A_54 : memref<1x112xi32, #tpu.memory_space<vmem>> -> memref<112xi32, #tpu.memory_space<vmem>>
      %dma_start3A_56 = arith.constant 0 : i32
      %dma_start3A_57 = arith.constant 0 : i32
      %dma_start3A_58 = tpu.memref_slice %arg3[%dma_start3A_56, %dma_start3A_57] : memref<100000x32xi32, #tpu.memory_space<hbm>> -> memref<100000x32xi32, #tpu.memory_space<hbm>>
      tpu.enqueue_indirect_dma source(%dma_start3A_58 : memref<100000x32xi32, #tpu.memory_space<hbm>>) target(%arg20 : memref<112x32xi32, #tpu.memory_space<vmem>>) offsets(%dma_start3A_55 : memref<112xi32, #tpu.memory_space<vmem>>) semaphore(%arg27 : memref<!tpu.dma_semaphore, #tpu.memory_space<semaphore_mem>>)
      %dma_wait3A_59 = arith.constant 0 : i32
      %dma_wait3A_60 = tpu.memref_slice %arg12[%mul3A_42, %dma_wait3A_59] : memref<64x112xi32, #tpu.memory_space<vmem>> -> memref<1x112xi32, #tpu.memory_space<vmem>>
      %dma_wait3A_61 = tpu.memref_squeeze %dma_wait3A_60 : memref<1x112xi32, #tpu.memory_space<vmem>> -> memref<112xi32, #tpu.memory_space<vmem>>
      %dma_wait3A_62 = arith.constant 0 : i32
      %dma_wait3A_63 = arith.constant 0 : i32
      %dma_wait3A_64 = tpu.memref_slice %arg2[%dma_wait3A_62, %dma_wait3A_63] : memref<100000x32xi32, #tpu.memory_space<hbm>> -> memref<100000x32xi32, #tpu.memory_space<hbm>>
      tpu.wait_indirect_dma semaphore(%arg24 : memref<!tpu.dma_semaphore, #tpu.memory_space<semaphore_mem>>) src(%dma_wait3A_64 : memref<100000x32xi32, #tpu.memory_space<hbm>>) dst(%arg17 : memref<112x32xi32, #tpu.memory_space<vmem>>)
      %dma_wait3A_65 = arith.constant 0 : i32
      %dma_wait3A_66 = tpu.memref_slice %arg14[%mul3A_42, %dma_wait3A_65] : memref<64x112xi32, #tpu.memory_space<vmem>> -> memref<1x112xi32, #tpu.memory_space<vmem>>
      %dma_wait3A_67 = tpu.memref_squeeze %dma_wait3A_66 : memref<1x112xi32, #tpu.memory_space<vmem>> -> memref<112xi32, #tpu.memory_space<vmem>>
      %dma_wait3A_68 = arith.constant 0 : i32
      %dma_wait3A_69 = arith.constant 0 : i32
      %dma_wait3A_70 = tpu.memref_slice %arg3[%dma_wait3A_68, %dma_wait3A_69] : memref<100000x32xi32, #tpu.memory_space<hbm>> -> memref<100000x32xi32, #tpu.memory_space<hbm>>
      tpu.wait_indirect_dma semaphore(%arg26 : memref<!tpu.dma_semaphore, #tpu.memory_space<semaphore_mem>>) src(%dma_wait3A_70 : memref<100000x32xi32, #tpu.memory_space<hbm>>) dst(%arg19 : memref<112x32xi32, #tpu.memory_space<vmem>>)
      %mul3A_71 = arith.constant 2 : i32
      %mul3A_72 = arith.muli %mul3A_42, %mul3A_71 : i32
      %add3A_73 = arith.constant 0 : i32
      %add3A_74 = arith.addi %mul3A_72, %add3A_73 : i32
      %parallel_loop3A = arith.constant 0 : i32
      %parallel_loop3A_75 = arith.constant 50 : i32
      %parallel_loop3A_76 = arith.constant 1 : i32
      %parallel_loop3A_77:8 = scf.for %parallel_loop3A_259 = %parallel_loop3A to %parallel_loop3A_75 step %parallel_loop3A_76 iter_args(%parallel_loop3A_260 = %broadcast_in_dim3A_11, %parallel_loop3A_261 = %broadcast_in_dim3A_11, %parallel_loop3A_262 = %broadcast_in_dim3A_11, %parallel_loop3A_263 = %broadcast_in_dim3A_11, %parallel_loop3A_264 = %broadcast_in_dim3A_11, %parallel_loop3A_265 = %broadcast_in_dim3A_11, %parallel_loop3A_266 = %broadcast_in_dim3A_11, %parallel_loop3A_267 = %broadcast_in_dim3A_11) -> (vector<16xf32>, vector<16xf32>, vector<16xf32>, vector<16xf32>, vector<16xf32>, vector<16xf32>, vector<16xf32>, vector<16xf32>)  : i32 {
        %parallel_loop3A_268 = arith.constant 16 : i32
        %parallel_loop3A_269 = arith.divsi %parallel_loop3A_259, %parallel_loop3A_268 : i32
        %parallel_loop3A_270 = arith.constant 0 : i32
        %parallel_loop3A_271 = arith.cmpi sgt, %parallel_loop3A_259, %parallel_loop3A_270 : i32
        %parallel_loop3A_272 = arith.extui %parallel_loop3A_271 : i1 to i32
        %parallel_loop3A_273 = arith.constant 0 : i32
        %parallel_loop3A_274 = arith.cmpi slt, %parallel_loop3A_259, %parallel_loop3A_273 : i32
        %parallel_loop3A_275 = arith.extui %parallel_loop3A_274 : i1 to i32
        %parallel_loop3A_276 = arith.subi %parallel_loop3A_272, %parallel_loop3A_275 : i32
        %parallel_loop3A_277 = arith.constant 0 : i32
        %parallel_loop3A_278 = arith.cmpi sgt, %parallel_loop3A_268, %parallel_loop3A_277 : i32
        %parallel_loop3A_279 = arith.extui %parallel_loop3A_278 : i1 to i32
        %parallel_loop3A_280 = arith.constant 0 : i32
        %parallel_loop3A_281 = arith.cmpi slt, %parallel_loop3A_268, %parallel_loop3A_280 : i32
        %parallel_loop3A_282 = arith.extui %parallel_loop3A_281 : i1 to i32
        %parallel_loop3A_283 = arith.subi %parallel_loop3A_279, %parallel_loop3A_282 : i32
        %parallel_loop3A_284 = arith.cmpi ne, %parallel_loop3A_276, %parallel_loop3A_283 : i32
        %parallel_loop3A_285 = arith.remsi %parallel_loop3A_259, %parallel_loop3A_268 : i32
        %parallel_loop3A_286 = arith.constant 0 : i32
        %parallel_loop3A_287 = arith.cmpi ne, %parallel_loop3A_285, %parallel_loop3A_286 : i32
        %parallel_loop3A_288 = arith.andi %parallel_loop3A_284, %parallel_loop3A_287 : i1
        %parallel_loop3A_289 = arith.constant 1 : i32
        %parallel_loop3A_290 = arith.subi %parallel_loop3A_269, %parallel_loop3A_289 : i32
        %parallel_loop3A_291 = arith.select %parallel_loop3A_288, %parallel_loop3A_290, %parallel_loop3A_269 : i32
        %parallel_loop3A_292 = arith.constant 16 : i32
        %parallel_loop3A_293 = arith.muli %parallel_loop3A_291, %parallel_loop3A_292 : i32
        %parallel_loop3A_294 = arith.subi %parallel_loop3A_259, %parallel_loop3A_293 : i32
        %parallel_loop3A_295 = tpu.assume_multiple %parallel_loop3A_293, 8 : i32
        %parallel_loop3A_296 = arith.index_cast %mul3A_42 : i32 to index
        %parallel_loop3A_297 = arith.index_cast %parallel_loop3A_295 : i32 to index
        %parallel_loop3A_298 = tpu.vector_load %arg13[%parallel_loop3A_296, %parallel_loop3A_297] {strides = array<i32>} : memref<64x112xi32, #tpu.memory_space<vmem>>, vector<16xi32>,
        %parallel_loop3A_299 = vector.broadcast %parallel_loop3A_294 : i32 to vector<16xi32>
        %parallel_loop3A_300 = arith.constant 0 : i32
        %parallel_loop3A_301 = vector.broadcast %parallel_loop3A_300 : i32 to vector<16xi32>
        %parallel_loop3A_302 = arith.cmpi slt, %parallel_loop3A_299, %parallel_loop3A_301 : vector<16xi32>
        %parallel_loop3A_303 = arith.constant 16 : i32
        %parallel_loop3A_304 = vector.broadcast %parallel_loop3A_303 : i32 to vector<16xi32>
        %parallel_loop3A_305 = arith.addi %parallel_loop3A_299, %parallel_loop3A_304 : vector<16xi32>
        %parallel_loop3A_306 = arith.select %parallel_loop3A_302, %parallel_loop3A_305, %parallel_loop3A_299 : vector<16xi1>, vector<16xi32>
        %parallel_loop3A_307 = vector.shape_cast %parallel_loop3A_306 : vector<16xi32> to vector<16x1xi32>
        %parallel_loop3A_308 = vector.shape_cast %parallel_loop3A_307 : vector<16x1xi32> to vector<16xi32>
        %parallel_loop3A_309 = tpu.dynamic_gather %parallel_loop3A_298[%parallel_loop3A_308] in [0] : vector<16xi32>, vector<16xi32> -> vector<16xi32>
        %parallel_loop3A_310 = arith.index_cast %parallel_loop3A_259 : i32 to index
        %parallel_loop3A_311 = arith.constant 0 : index
        %parallel_loop3A_312 = tpu.vector_load %arg17[%parallel_loop3A_310, %parallel_loop3A_311] {strides = array<i32>} : memref<112x32xi32, #tpu.memory_space<vmem>>, vector<16xi32>,
        %parallel_loop3A_313 = vector.bitcast %parallel_loop3A_312 : vector<16xi32> to vector<32xbf16>
        %parallel_loop3A_314 = tpu.unpack_subelements %parallel_loop3A_313, 0 {pack_format = #tpu.pack_format<interleaved>} : vector<32xbf16> -> vector<16xf32>
        %parallel_loop3A_315 = tpu.unpack_subelements %parallel_loop3A_313, 1 {pack_format = #tpu.pack_format<interleaved>} : vector<32xbf16> -> vector<16xf32>
        %parallel_loop3A_316 = arith.addi %parallel_loop3A_309, %add3A_14 : vector<16xi32>
        %parallel_loop3A_317 = tpu.vector_load_idx %arg16[%parallel_loop3A_316] : memref<256xi32, #tpu.memory_space<vmem>>[vector<16xi32>], vector<16xi32>,
        %parallel_loop3A_318 = vector.bitcast %parallel_loop3A_317 : vector<16xi32> to vector<32xbf16>
        %parallel_loop3A_319 = tpu.unpack_subelements %parallel_loop3A_318, 0 {pack_format = #tpu.pack_format<interleaved>} : vector<32xbf16> -> vector<16xf32>
        %parallel_loop3A_320 = tpu.unpack_subelements %parallel_loop3A_318, 1 {pack_format = #tpu.pack_format<interleaved>} : vector<32xbf16> -> vector<16xf32>
        %parallel_loop3A_321 = arith.index_cast %parallel_loop3A_259 : i32 to index
        %parallel_loop3A_322 = arith.constant 0 : index
        %parallel_loop3A_323 = tpu.vector_load %arg19[%parallel_loop3A_321, %parallel_loop3A_322] {strides = array<i32>} : memref<112x32xi32, #tpu.memory_space<vmem>>, vector<16xi32>,
        %parallel_loop3A_324 = vector.bitcast %parallel_loop3A_323 : vector<16xi32> to vector<32xbf16>
        %parallel_loop3A_325 = tpu.unpack_subelements %parallel_loop3A_324, 0 {pack_format = #tpu.pack_format<interleaved>} : vector<32xbf16> -> vector<16xf32>
        %parallel_loop3A_326 = tpu.unpack_subelements %parallel_loop3A_324, 1 {pack_format = #tpu.pack_format<interleaved>} : vector<32xbf16> -> vector<16xf32>
        %parallel_loop3A_327 = arith.addf %parallel_loop3A_314, %parallel_loop3A_319 : vector<16xf32>
        %parallel_loop3A_328 = arith.constant 0.000000e+00 : f32
        %parallel_loop3A_329 = vector.broadcast %parallel_loop3A_328 : f32 to vector<16xf32>
        %parallel_loop3A_330 = arith.maximumf %parallel_loop3A_327, %parallel_loop3A_329 : vector<16xf32>
        %parallel_loop3A_331 = arith.addf %parallel_loop3A_260, %parallel_loop3A_330 : vector<16xf32>
        %parallel_loop3A_332 = arith.addf %parallel_loop3A_315, %parallel_loop3A_320 : vector<16xf32>
        %parallel_loop3A_333 = arith.constant 0.000000e+00 : f32
        %parallel_loop3A_334 = vector.broadcast %parallel_loop3A_333 : f32 to vector<16xf32>
        %parallel_loop3A_335 = arith.maximumf %parallel_loop3A_332, %parallel_loop3A_334 : vector<16xf32>
        %parallel_loop3A_336 = arith.addf %parallel_loop3A_261, %parallel_loop3A_335 : vector<16xf32>
        %parallel_loop3A_337 = arith.addf %parallel_loop3A_264, %parallel_loop3A_325 : vector<16xf32>
        %parallel_loop3A_338 = arith.addf %parallel_loop3A_265, %parallel_loop3A_326 : vector<16xf32>
        %parallel_loop3A_339 = arith.index_cast %parallel_loop3A_259 : i32 to index
        %parallel_loop3A_340 = arith.constant 16 : index
        %parallel_loop3A_341 = tpu.vector_load %arg17[%parallel_loop3A_339, %parallel_loop3A_340] {strides = array<i32>} : memref<112x32xi32, #tpu.memory_space<vmem>>, vector<16xi32>,
        %parallel_loop3A_342 = vector.bitcast %parallel_loop3A_341 : vector<16xi32> to vector<32xbf16>
        %parallel_loop3A_343 = tpu.unpack_subelements %parallel_loop3A_342, 0 {pack_format = #tpu.pack_format<interleaved>} : vector<32xbf16> -> vector<16xf32>
        %parallel_loop3A_344 = tpu.unpack_subelements %parallel_loop3A_342, 1 {pack_format = #tpu.pack_format<interleaved>} : vector<32xbf16> -> vector<16xf32>
        %parallel_loop3A_345 = arith.addi %parallel_loop3A_309, %add3A_17 : vector<16xi32>
        %parallel_loop3A_346 = tpu.vector_load_idx %arg16[%parallel_loop3A_345] : memref<256xi32, #tpu.memory_space<vmem>>[vector<16xi32>], vector<16xi32>,
        %parallel_loop3A_347 = vector.bitcast %parallel_loop3A_346 : vector<16xi32> to vector<32xbf16>
        %parallel_loop3A_348 = tpu.unpack_subelements %parallel_loop3A_347, 0 {pack_format = #tpu.pack_format<interleaved>} : vector<32xbf16> -> vector<16xf32>
        %parallel_loop3A_349 = tpu.unpack_subelements %parallel_loop3A_347, 1 {pack_format = #tpu.pack_format<interleaved>} : vector<32xbf16> -> vector<16xf32>
        %parallel_loop3A_350 = arith.index_cast %parallel_loop3A_259 : i32 to index
        %parallel_loop3A_351 = arith.constant 16 : index
        %parallel_loop3A_352 = tpu.vector_load %arg19[%parallel_loop3A_350, %parallel_loop3A_351] {strides = array<i32>} : memref<112x32xi32, #tpu.memory_space<vmem>>, vector<16xi32>,
        %parallel_loop3A_353 = vector.bitcast %parallel_loop3A_352 : vector<16xi32> to vector<32xbf16>
        %parallel_loop3A_354 = tpu.unpack_subelements %parallel_loop3A_353, 0 {pack_format = #tpu.pack_format<interleaved>} : vector<32xbf16> -> vector<16xf32>
        %parallel_loop3A_355 = tpu.unpack_subelements %parallel_loop3A_353, 1 {pack_format = #tpu.pack_format<interleaved>} : vector<32xbf16> -> vector<16xf32>
        %parallel_loop3A_356 = arith.addf %parallel_loop3A_343, %parallel_loop3A_348 : vector<16xf32>
        %parallel_loop3A_357 = arith.constant 0.000000e+00 : f32
        %parallel_loop3A_358 = vector.broadcast %parallel_loop3A_357 : f32 to vector<16xf32>
        %parallel_loop3A_359 = arith.maximumf %parallel_loop3A_356, %parallel_loop3A_358 : vector<16xf32>
        %parallel_loop3A_360 = arith.addf %parallel_loop3A_262, %parallel_loop3A_359 : vector<16xf32>
        %parallel_loop3A_361 = arith.addf %parallel_loop3A_344, %parallel_loop3A_349 : vector<16xf32>
        %parallel_loop3A_362 = arith.constant 0.000000e+00 : f32
        %parallel_loop3A_363 = vector.broadcast %parallel_loop3A_362 : f32 to vector<16xf32>
        %parallel_loop3A_364 = arith.maximumf %parallel_loop3A_361, %parallel_loop3A_363 : vector<16xf32>
        %parallel_loop3A_365 = arith.addf %parallel_loop3A_263, %parallel_loop3A_364 : vector<16xf32>
        %parallel_loop3A_366 = arith.addf %parallel_loop3A_266, %parallel_loop3A_354 : vector<16xf32>
        %parallel_loop3A_367 = arith.addf %parallel_loop3A_267, %parallel_loop3A_355 : vector<16xf32>
        scf.yield %parallel_loop3A_331, %parallel_loop3A_336, %parallel_loop3A_360, %parallel_loop3A_365, %parallel_loop3A_337, %parallel_loop3A_338, %parallel_loop3A_366, %parallel_loop3A_367 : vector<16xf32>, vector<16xf32>, vector<16xf32>, vector<16xf32>, vector<16xf32>, vector<16xf32>, vector<16xf32>, vector<16xf32>
      } {sc.loop_unroll_factor = 2 : i64, sc.parallel_access}
      %mul3A_78 = vector.broadcast %scan3A_32 : f32 to vector<16xf32>
      %mul3A_79 = arith.mulf %parallel_loop3A_77#0, %mul3A_78 : vector<16xf32>
      %mul3A_80 = vector.broadcast %scan3A_32 : f32 to vector<16xf32>
      %mul3A_81 = arith.mulf %parallel_loop3A_77#1, %mul3A_80 : vector<16xf32>
      %pack3A = tpu.pack_subelements %mul3A_79, %mul3A_81 {pack_format = #tpu.pack_format<interleaved>, positions = array<i32: 0, 1>} : vector<16xf32>, vector<16xf32> -> vector<32xbf16>
      %bitcast3A = vector.bitcast %pack3A : vector<32xbf16> to vector<16xi32>
      %swap3A = arith.index_cast %add3A_74 : i32 to index
      %swap3A_82 = arith.constant 0 : index
      %swap3A_83 = tpu.vector_load %arg22[%swap3A, %swap3A_82] {strides = array<i32>} : memref<128x32xi32, #tpu.memory_space<vmem>>, vector<16xi32>,
      tpu.vector_store %arg22[%swap3A, %swap3A_82], %bitcast3A {strides = array<i32>} : memref<128x32xi32, #tpu.memory_space<vmem>>, vector<16xi32>,
      %mul3A_84 = vector.broadcast %scan3A_32 : f32 to vector<16xf32>
      %mul3A_85 = arith.mulf %parallel_loop3A_77#4, %mul3A_84 : vector<16xf32>
      %mul3A_86 = vector.broadcast %scan3A_32 : f32 to vector<16xf32>
      %mul3A_87 = arith.mulf %parallel_loop3A_77#5, %mul3A_86 : vector<16xf32>
      %pack3A_88 = tpu.pack_subelements %mul3A_85, %mul3A_87 {pack_format = #tpu.pack_format<interleaved>, positions = array<i32: 0, 1>} : vector<16xf32>, vector<16xf32> -> vector<32xbf16>
      %bitcast3A_89 = vector.bitcast %pack3A_88 : vector<32xbf16> to vector<16xi32>
      %swap3A_90 = arith.index_cast %add3A_74 : i32 to index
      %swap3A_91 = arith.constant 0 : index
      %swap3A_92 = tpu.vector_load %arg23[%swap3A_90, %swap3A_91] {strides = array<i32>} : memref<128x32xi32, #tpu.memory_space<vmem>>, vector<16xi32>,
      tpu.vector_store %arg23[%swap3A_90, %swap3A_91], %bitcast3A_89 {strides = array<i32>} : memref<128x32xi32, #tpu.memory_space<vmem>>, vector<16xi32>,
      %mul3A_93 = vector.broadcast %scan3A_32 : f32 to vector<16xf32>
      %mul3A_94 = arith.mulf %parallel_loop3A_77#2, %mul3A_93 : vector<16xf32>
      %mul3A_95 = vector.broadcast %scan3A_32 : f32 to vector<16xf32>
      %mul3A_96 = arith.mulf %parallel_loop3A_77#3, %mul3A_95 : vector<16xf32>
      %pack3A_97 = tpu.pack_subelements %mul3A_94, %mul3A_96 {pack_format = #tpu.pack_format<interleaved>, positions = array<i32: 0, 1>} : vector<16xf32>, vector<16xf32> -> vector<32xbf16>
      %bitcast3A_98 = vector.bitcast %pack3A_97 : vector<32xbf16> to vector<16xi32>
      %swap3A_99 = arith.index_cast %add3A_74 : i32 to index
      %swap3A_100 = arith.constant 16 : index
      %swap3A_101 = tpu.vector_load %arg22[%swap3A_99, %swap3A_100] {strides = array<i32>} : memref<128x32xi32, #tpu.memory_space<vmem>>, vector<16xi32>,
      tpu.vector_store %arg22[%swap3A_99, %swap3A_100], %bitcast3A_98 {strides = array<i32>} : memref<128x32xi32, #tpu.memory_space<vmem>>, vector<16xi32>,
      %mul3A_102 = vector.broadcast %scan3A_32 : f32 to vector<16xf32>
      %mul3A_103 = arith.mulf %parallel_loop3A_77#6, %mul3A_102 : vector<16xf32>
      %mul3A_104 = vector.broadcast %scan3A_32 : f32 to vector<16xf32>
      %mul3A_105 = arith.mulf %parallel_loop3A_77#7, %mul3A_104 : vector<16xf32>
      %pack3A_106 = tpu.pack_subelements %mul3A_103, %mul3A_105 {pack_format = #tpu.pack_format<interleaved>, positions = array<i32: 0, 1>} : vector<16xf32>, vector<16xf32> -> vector<32xbf16>
      %bitcast3A_107 = vector.bitcast %pack3A_106 : vector<32xbf16> to vector<16xi32>
      %swap3A_108 = arith.index_cast %add3A_74 : i32 to index
      %swap3A_109 = arith.constant 16 : index
      %swap3A_110 = tpu.vector_load %arg23[%swap3A_108, %swap3A_109] {strides = array<i32>} : memref<128x32xi32, #tpu.memory_space<vmem>>, vector<16xi32>,
      tpu.vector_store %arg23[%swap3A_108, %swap3A_109], %bitcast3A_107 {strides = array<i32>} : memref<128x32xi32, #tpu.memory_space<vmem>>, vector<16xi32>,
      %mul3A_111 = arith.constant 2 : i32
      %mul3A_112 = arith.muli %mul3A_42, %mul3A_111 : i32
      %add3A_113 = arith.constant 1 : i32
      %add3A_114 = arith.addi %mul3A_112, %add3A_113 : i32
      %parallel_loop3A_115 = arith.constant 56 : i32
      %parallel_loop3A_116 = arith.constant 106 : i32
      %parallel_loop3A_117 = arith.constant 1 : i32
      %parallel_loop3A_118:8 = scf.for %parallel_loop3A_259 = %parallel_loop3A_115 to %parallel_loop3A_116 step %parallel_loop3A_117 iter_args(%parallel_loop3A_260 = %broadcast_in_dim3A_11, %parallel_loop3A_261 = %broadcast_in_dim3A_11, %parallel_loop3A_262 = %broadcast_in_dim3A_11, %parallel_loop3A_263 = %broadcast_in_dim3A_11, %parallel_loop3A_264 = %broadcast_in_dim3A_11, %parallel_loop3A_265 = %broadcast_in_dim3A_11, %parallel_loop3A_266 = %broadcast_in_dim3A_11, %parallel_loop3A_267 = %broadcast_in_dim3A_11) -> (vector<16xf32>, vector<16xf32>, vector<16xf32>, vector<16xf32>, vector<16xf32>, vector<16xf32>, vector<16xf32>, vector<16xf32>)  : i32 {
        %parallel_loop3A_268 = arith.constant 16 : i32
        %parallel_loop3A_269 = arith.divsi %parallel_loop3A_259, %parallel_loop3A_268 : i32
        %parallel_loop3A_270 = arith.constant 0 : i32
        %parallel_loop3A_271 = arith.cmpi sgt, %parallel_loop3A_259, %parallel_loop3A_270 : i32
        %parallel_loop3A_272 = arith.extui %parallel_loop3A_271 : i1 to i32
        %parallel_loop3A_273 = arith.constant 0 : i32
        %parallel_loop3A_274 = arith.cmpi slt, %parallel_loop3A_259, %parallel_loop3A_273 : i32
        %parallel_loop3A_275 = arith.extui %parallel_loop3A_274 : i1 to i32
        %parallel_loop3A_276 = arith.subi %parallel_loop3A_272, %parallel_loop3A_275 : i32
        %parallel_loop3A_277 = arith.constant 0 : i32
        %parallel_loop3A_278 = arith.cmpi sgt, %parallel_loop3A_268, %parallel_loop3A_277 : i32
        %parallel_loop3A_279 = arith.extui %parallel_loop3A_278 : i1 to i32
        %parallel_loop3A_280 = arith.constant 0 : i32
        %parallel_loop3A_281 = arith.cmpi slt, %parallel_loop3A_268, %parallel_loop3A_280 : i32
        %parallel_loop3A_282 = arith.extui %parallel_loop3A_281 : i1 to i32
        %parallel_loop3A_283 = arith.subi %parallel_loop3A_279, %parallel_loop3A_282 : i32
        %parallel_loop3A_284 = arith.cmpi ne, %parallel_loop3A_276, %parallel_loop3A_283 : i32
        %parallel_loop3A_285 = arith.remsi %parallel_loop3A_259, %parallel_loop3A_268 : i32
        %parallel_loop3A_286 = arith.constant 0 : i32
        %parallel_loop3A_287 = arith.cmpi ne, %parallel_loop3A_285, %parallel_loop3A_286 : i32
        %parallel_loop3A_288 = arith.andi %parallel_loop3A_284, %parallel_loop3A_287 : i1
        %parallel_loop3A_289 = arith.constant 1 : i32
        %parallel_loop3A_290 = arith.subi %parallel_loop3A_269, %parallel_loop3A_289 : i32
        %parallel_loop3A_291 = arith.select %parallel_loop3A_288, %parallel_loop3A_290, %parallel_loop3A_269 : i32
        %parallel_loop3A_292 = arith.constant 16 : i32
        %parallel_loop3A_293 = arith.muli %parallel_loop3A_291, %parallel_loop3A_292 : i32
        %parallel_loop3A_294 = arith.subi %parallel_loop3A_259, %parallel_loop3A_293 : i32
        %parallel_loop3A_295 = tpu.assume_multiple %parallel_loop3A_293, 8 : i32
        %parallel_loop3A_296 = arith.index_cast %mul3A_42 : i32 to index
        %parallel_loop3A_297 = arith.index_cast %parallel_loop3A_295 : i32 to index
        %parallel_loop3A_298 = tpu.vector_load %arg13[%parallel_loop3A_296, %parallel_loop3A_297] {strides = array<i32>} : memref<64x112xi32, #tpu.memory_space<vmem>>, vector<16xi32>,
        %parallel_loop3A_299 = vector.broadcast %parallel_loop3A_294 : i32 to vector<16xi32>
        %parallel_loop3A_300 = arith.constant 0 : i32
        %parallel_loop3A_301 = vector.broadcast %parallel_loop3A_300 : i32 to vector<16xi32>
        %parallel_loop3A_302 = arith.cmpi slt, %parallel_loop3A_299, %parallel_loop3A_301 : vector<16xi32>
        %parallel_loop3A_303 = arith.constant 16 : i32
        %parallel_loop3A_304 = vector.broadcast %parallel_loop3A_303 : i32 to vector<16xi32>
        %parallel_loop3A_305 = arith.addi %parallel_loop3A_299, %parallel_loop3A_304 : vector<16xi32>
        %parallel_loop3A_306 = arith.select %parallel_loop3A_302, %parallel_loop3A_305, %parallel_loop3A_299 : vector<16xi1>, vector<16xi32>
        %parallel_loop3A_307 = vector.shape_cast %parallel_loop3A_306 : vector<16xi32> to vector<16x1xi32>
        %parallel_loop3A_308 = vector.shape_cast %parallel_loop3A_307 : vector<16x1xi32> to vector<16xi32>
        %parallel_loop3A_309 = tpu.dynamic_gather %parallel_loop3A_298[%parallel_loop3A_308] in [0] : vector<16xi32>, vector<16xi32> -> vector<16xi32>
        %parallel_loop3A_310 = arith.index_cast %parallel_loop3A_259 : i32 to index
        %parallel_loop3A_311 = arith.constant 0 : index
        %parallel_loop3A_312 = tpu.vector_load %arg17[%parallel_loop3A_310, %parallel_loop3A_311] {strides = array<i32>} : memref<112x32xi32, #tpu.memory_space<vmem>>, vector<16xi32>,
        %parallel_loop3A_313 = vector.bitcast %parallel_loop3A_312 : vector<16xi32> to vector<32xbf16>
        %parallel_loop3A_314 = tpu.unpack_subelements %parallel_loop3A_313, 0 {pack_format = #tpu.pack_format<interleaved>} : vector<32xbf16> -> vector<16xf32>
        %parallel_loop3A_315 = tpu.unpack_subelements %parallel_loop3A_313, 1 {pack_format = #tpu.pack_format<interleaved>} : vector<32xbf16> -> vector<16xf32>
        %parallel_loop3A_316 = arith.addi %parallel_loop3A_309, %add3A_14 : vector<16xi32>
        %parallel_loop3A_317 = tpu.vector_load_idx %arg16[%parallel_loop3A_316] : memref<256xi32, #tpu.memory_space<vmem>>[vector<16xi32>], vector<16xi32>,
        %parallel_loop3A_318 = vector.bitcast %parallel_loop3A_317 : vector<16xi32> to vector<32xbf16>
        %parallel_loop3A_319 = tpu.unpack_subelements %parallel_loop3A_318, 0 {pack_format = #tpu.pack_format<interleaved>} : vector<32xbf16> -> vector<16xf32>
        %parallel_loop3A_320 = tpu.unpack_subelements %parallel_loop3A_318, 1 {pack_format = #tpu.pack_format<interleaved>} : vector<32xbf16> -> vector<16xf32>
        %parallel_loop3A_321 = arith.index_cast %parallel_loop3A_259 : i32 to index
        %parallel_loop3A_322 = arith.constant 0 : index
        %parallel_loop3A_323 = tpu.vector_load %arg19[%parallel_loop3A_321, %parallel_loop3A_322] {strides = array<i32>} : memref<112x32xi32, #tpu.memory_space<vmem>>, vector<16xi32>,
        %parallel_loop3A_324 = vector.bitcast %parallel_loop3A_323 : vector<16xi32> to vector<32xbf16>
        %parallel_loop3A_325 = tpu.unpack_subelements %parallel_loop3A_324, 0 {pack_format = #tpu.pack_format<interleaved>} : vector<32xbf16> -> vector<16xf32>
        %parallel_loop3A_326 = tpu.unpack_subelements %parallel_loop3A_324, 1 {pack_format = #tpu.pack_format<interleaved>} : vector<32xbf16> -> vector<16xf32>
        %parallel_loop3A_327 = arith.addf %parallel_loop3A_314, %parallel_loop3A_319 : vector<16xf32>
        %parallel_loop3A_328 = arith.constant 0.000000e+00 : f32
        %parallel_loop3A_329 = vector.broadcast %parallel_loop3A_328 : f32 to vector<16xf32>
        %parallel_loop3A_330 = arith.maximumf %parallel_loop3A_327, %parallel_loop3A_329 : vector<16xf32>
        %parallel_loop3A_331 = arith.addf %parallel_loop3A_260, %parallel_loop3A_330 : vector<16xf32>
        %parallel_loop3A_332 = arith.addf %parallel_loop3A_315, %parallel_loop3A_320 : vector<16xf32>
        %parallel_loop3A_333 = arith.constant 0.000000e+00 : f32
        %parallel_loop3A_334 = vector.broadcast %parallel_loop3A_333 : f32 to vector<16xf32>
        %parallel_loop3A_335 = arith.maximumf %parallel_loop3A_332, %parallel_loop3A_334 : vector<16xf32>
        %parallel_loop3A_336 = arith.addf %parallel_loop3A_261, %parallel_loop3A_335 : vector<16xf32>
        %parallel_loop3A_337 = arith.addf %parallel_loop3A_264, %parallel_loop3A_325 : vector<16xf32>
        %parallel_loop3A_338 = arith.addf %parallel_loop3A_265, %parallel_loop3A_326 : vector<16xf32>
        %parallel_loop3A_339 = arith.index_cast %parallel_loop3A_259 : i32 to index
        %parallel_loop3A_340 = arith.constant 16 : index
        %parallel_loop3A_341 = tpu.vector_load %arg17[%parallel_loop3A_339, %parallel_loop3A_340] {strides = array<i32>} : memref<112x32xi32, #tpu.memory_space<vmem>>, vector<16xi32>,
        %parallel_loop3A_342 = vector.bitcast %parallel_loop3A_341 : vector<16xi32> to vector<32xbf16>
        %parallel_loop3A_343 = tpu.unpack_subelements %parallel_loop3A_342, 0 {pack_format = #tpu.pack_format<interleaved>} : vector<32xbf16> -> vector<16xf32>
        %parallel_loop3A_344 = tpu.unpack_subelements %parallel_loop3A_342, 1 {pack_format = #tpu.pack_format<interleaved>} : vector<32xbf16> -> vector<16xf32>
        %parallel_loop3A_345 = arith.addi %parallel_loop3A_309, %add3A_17 : vector<16xi32>
        %parallel_loop3A_346 = tpu.vector_load_idx %arg16[%parallel_loop3A_345] : memref<256xi32, #tpu.memory_space<vmem>>[vector<16xi32>], vector<16xi32>,
        %parallel_loop3A_347 = vector.bitcast %parallel_loop3A_346 : vector<16xi32> to vector<32xbf16>
        %parallel_loop3A_348 = tpu.unpack_subelements %parallel_loop3A_347, 0 {pack_format = #tpu.pack_format<interleaved>} : vector<32xbf16> -> vector<16xf32>
        %parallel_loop3A_349 = tpu.unpack_subelements %parallel_loop3A_347, 1 {pack_format = #tpu.pack_format<interleaved>} : vector<32xbf16> -> vector<16xf32>
        %parallel_loop3A_350 = arith.index_cast %parallel_loop3A_259 : i32 to index
        %parallel_loop3A_351 = arith.constant 16 : index
        %parallel_loop3A_352 = tpu.vector_load %arg19[%parallel_loop3A_350, %parallel_loop3A_351] {strides = array<i32>} : memref<112x32xi32, #tpu.memory_space<vmem>>, vector<16xi32>,
        %parallel_loop3A_353 = vector.bitcast %parallel_loop3A_352 : vector<16xi32> to vector<32xbf16>
        %parallel_loop3A_354 = tpu.unpack_subelements %parallel_loop3A_353, 0 {pack_format = #tpu.pack_format<interleaved>} : vector<32xbf16> -> vector<16xf32>
        %parallel_loop3A_355 = tpu.unpack_subelements %parallel_loop3A_353, 1 {pack_format = #tpu.pack_format<interleaved>} : vector<32xbf16> -> vector<16xf32>
        %parallel_loop3A_356 = arith.addf %parallel_loop3A_343, %parallel_loop3A_348 : vector<16xf32>
        %parallel_loop3A_357 = arith.constant 0.000000e+00 : f32
        %parallel_loop3A_358 = vector.broadcast %parallel_loop3A_357 : f32 to vector<16xf32>
        %parallel_loop3A_359 = arith.maximumf %parallel_loop3A_356, %parallel_loop3A_358 : vector<16xf32>
        %parallel_loop3A_360 = arith.addf %parallel_loop3A_262, %parallel_loop3A_359 : vector<16xf32>
        %parallel_loop3A_361 = arith.addf %parallel_loop3A_344, %parallel_loop3A_349 : vector<16xf32>
        %parallel_loop3A_362 = arith.constant 0.000000e+00 : f32
        %parallel_loop3A_363 = vector.broadcast %parallel_loop3A_362 : f32 to vector<16xf32>
        %parallel_loop3A_364 = arith.maximumf %parallel_loop3A_361, %parallel_loop3A_363 : vector<16xf32>
        %parallel_loop3A_365 = arith.addf %parallel_loop3A_263, %parallel_loop3A_364 : vector<16xf32>
        %parallel_loop3A_366 = arith.addf %parallel_loop3A_266, %parallel_loop3A_354 : vector<16xf32>
        %parallel_loop3A_367 = arith.addf %parallel_loop3A_267, %parallel_loop3A_355 : vector<16xf32>
        scf.yield %parallel_loop3A_331, %parallel_loop3A_336, %parallel_loop3A_360, %parallel_loop3A_365, %parallel_loop3A_337, %parallel_loop3A_338, %parallel_loop3A_366, %parallel_loop3A_367 : vector<16xf32>, vector<16xf32>, vector<16xf32>, vector<16xf32>, vector<16xf32>, vector<16xf32>, vector<16xf32>, vector<16xf32>
      } {sc.loop_unroll_factor = 2 : i64, sc.parallel_access}
      %mul3A_119 = vector.broadcast %scan3A_32 : f32 to vector<16xf32>
      %mul3A_120 = arith.mulf %parallel_loop3A_118#0, %mul3A_119 : vector<16xf32>
      %mul3A_121 = vector.broadcast %scan3A_32 : f32 to vector<16xf32>
      %mul3A_122 = arith.mulf %parallel_loop3A_118#1, %mul3A_121 : vector<16xf32>
      %pack3A_123 = tpu.pack_subelements %mul3A_120, %mul3A_122 {pack_format = #tpu.pack_format<interleaved>, positions = array<i32: 0, 1>} : vector<16xf32>, vector<16xf32> -> vector<32xbf16>
      %bitcast3A_124 = vector.bitcast %pack3A_123 : vector<32xbf16> to vector<16xi32>
      %swap3A_125 = arith.index_cast %add3A_114 : i32 to index
      %swap3A_126 = arith.constant 0 : index
      %swap3A_127 = tpu.vector_load %arg22[%swap3A_125, %swap3A_126] {strides = array<i32>} : memref<128x32xi32, #tpu.memory_space<vmem>>, vector<16xi32>,
      tpu.vector_store %arg22[%swap3A_125, %swap3A_126], %bitcast3A_124 {strides = array<i32>} : memref<128x32xi32, #tpu.memory_space<vmem>>, vector<16xi32>,
      %mul3A_128 = vector.broadcast %scan3A_32 : f32 to vector<16xf32>
      %mul3A_129 = arith.mulf %parallel_loop3A_118#4, %mul3A_128 : vector<16xf32>
      %mul3A_130 = vector.broadcast %scan3A_32 : f32 to vector<16xf32>
      %mul3A_131 = arith.mulf %parallel_loop3A_118#5, %mul3A_130 : vector<16xf32>
      %pack3A_132 = tpu.pack_subelements %mul3A_129, %mul3A_131 {pack_format = #tpu.pack_format<interleaved>, positions = array<i32: 0, 1>} : vector<16xf32>, vector<16xf32> -> vector<32xbf16>
      %bitcast3A_133 = vector.bitcast %pack3A_132 : vector<32xbf16> to vector<16xi32>
      %swap3A_134 = arith.index_cast %add3A_114 : i32 to index
      %swap3A_135 = arith.constant 0 : index
      %swap3A_136 = tpu.vector_load %arg23[%swap3A_134, %swap3A_135] {strides = array<i32>} : memref<128x32xi32, #tpu.memory_space<vmem>>, vector<16xi32>,
      tpu.vector_store %arg23[%swap3A_134, %swap3A_135], %bitcast3A_133 {strides = array<i32>} : memref<128x32xi32, #tpu.memory_space<vmem>>, vector<16xi32>,
      %mul3A_137 = vector.broadcast %scan3A_32 : f32 to vector<16xf32>
      %mul3A_138 = arith.mulf %parallel_loop3A_118#2, %mul3A_137 : vector<16xf32>
      %mul3A_139 = vector.broadcast %scan3A_32 : f32 to vector<16xf32>
      %mul3A_140 = arith.mulf %parallel_loop3A_118#3, %mul3A_139 : vector<16xf32>
      %pack3A_141 = tpu.pack_subelements %mul3A_138, %mul3A_140 {pack_format = #tpu.pack_format<interleaved>, positions = array<i32: 0, 1>} : vector<16xf32>, vector<16xf32> -> vector<32xbf16>
      %bitcast3A_142 = vector.bitcast %pack3A_141 : vector<32xbf16> to vector<16xi32>
      %swap3A_143 = arith.index_cast %add3A_114 : i32 to index
      %swap3A_144 = arith.constant 16 : index
      %swap3A_145 = tpu.vector_load %arg22[%swap3A_143, %swap3A_144] {strides = array<i32>} : memref<128x32xi32, #tpu.memory_space<vmem>>, vector<16xi32>,
      tpu.vector_store %arg22[%swap3A_143, %swap3A_144], %bitcast3A_142 {strides = array<i32>} : memref<128x32xi32, #tpu.memory_space<vmem>>, vector<16xi32>,
      %mul3A_146 = vector.broadcast %scan3A_32 : f32 to vector<16xf32>
      %mul3A_147 = arith.mulf %parallel_loop3A_118#6, %mul3A_146 : vector<16xf32>
      %mul3A_148 = vector.broadcast %scan3A_32 : f32 to vector<16xf32>
      %mul3A_149 = arith.mulf %parallel_loop3A_118#7, %mul3A_148 : vector<16xf32>
      %pack3A_150 = tpu.pack_subelements %mul3A_147, %mul3A_149 {pack_format = #tpu.pack_format<interleaved>, positions = array<i32: 0, 1>} : vector<16xf32>, vector<16xf32> -> vector<32xbf16>
      %bitcast3A_151 = vector.bitcast %pack3A_150 : vector<32xbf16> to vector<16xi32>
      %swap3A_152 = arith.index_cast %add3A_114 : i32 to index
      %swap3A_153 = arith.constant 16 : index
      %swap3A_154 = tpu.vector_load %arg23[%swap3A_152, %swap3A_153] {strides = array<i32>} : memref<128x32xi32, #tpu.memory_space<vmem>>, vector<16xi32>,
      tpu.vector_store %arg23[%swap3A_152, %swap3A_153], %bitcast3A_151 {strides = array<i32>} : memref<128x32xi32, #tpu.memory_space<vmem>>, vector<16xi32>,
      %add3A_155 = arith.constant 1 : i32
      %add3A_156 = arith.addi %add3A_46, %add3A_155 : i32
      %lt3A = arith.constant 64 : i32
      %lt3A_157 = arith.cmpi slt, %add3A_156, %lt3A : i32
      %convert_element_type3A = arith.extui %lt3A_157 : i1 to i32
      %cond3A = arith.constant 0 : i32
      %cond3A_158 = arith.cmpi ne, %convert_element_type3A, %cond3A : i32
      scf.if %cond3A_158 {
        %add3A_259 = arith.constant 1 : i32
        %add3A_260 = arith.addi %add3A_46, %add3A_259 : i32
        %dma_start3A_261 = arith.constant 0 : i32
        %dma_start3A_262 = tpu.memref_slice %arg12[%add3A_260, %dma_start3A_261] : memref<64x112xi32, #tpu.memory_space<vmem>> -> memref<1x112xi32, #tpu.memory_space<vmem>>
        %dma_start3A_263 = tpu.memref_squeeze %dma_start3A_262 : memref<1x112xi32, #tpu.memory_space<vmem>> -> memref<112xi32, #tpu.memory_space<vmem>>
        %dma_start3A_264 = arith.constant 0 : i32
        %dma_start3A_265 = arith.constant 0 : i32
        %dma_start3A_266 = tpu.memref_slice %arg2[%dma_start3A_264, %dma_start3A_265] : memref<100000x32xi32, #tpu.memory_space<hbm>> -> memref<100000x32xi32, #tpu.memory_space<hbm>>
        tpu.enqueue_indirect_dma source(%dma_start3A_266 : memref<100000x32xi32, #tpu.memory_space<hbm>>) target(%arg17 : memref<112x32xi32, #tpu.memory_space<vmem>>) offsets(%dma_start3A_263 : memref<112xi32, #tpu.memory_space<vmem>>) semaphore(%arg24 : memref<!tpu.dma_semaphore, #tpu.memory_space<semaphore_mem>>)
        %dma_start3A_267 = arith.constant 0 : i32
        %dma_start3A_268 = tpu.memref_slice %arg14[%add3A_260, %dma_start3A_267] : memref<64x112xi32, #tpu.memory_space<vmem>> -> memref<1x112xi32, #tpu.memory_space<vmem>>
        %dma_start3A_269 = tpu.memref_squeeze %dma_start3A_268 : memref<1x112xi32, #tpu.memory_space<vmem>> -> memref<112xi32, #tpu.memory_space<vmem>>
        %dma_start3A_270 = arith.constant 0 : i32
        %dma_start3A_271 = arith.constant 0 : i32
        %dma_start3A_272 = tpu.memref_slice %arg3[%dma_start3A_270, %dma_start3A_271] : memref<100000x32xi32, #tpu.memory_space<hbm>> -> memref<100000x32xi32, #tpu.memory_space<hbm>>
        tpu.enqueue_indirect_dma source(%dma_start3A_272 : memref<100000x32xi32, #tpu.memory_space<hbm>>) target(%arg19 : memref<112x32xi32, #tpu.memory_space<vmem>>) offsets(%dma_start3A_269 : memref<112xi32, #tpu.memory_space<vmem>>) semaphore(%arg26 : memref<!tpu.dma_semaphore, #tpu.memory_space<semaphore_mem>>)
      } else {
      }
      %dma_wait3A_159 = arith.constant 0 : i32
      %dma_wait3A_160 = tpu.memref_slice %arg12[%add3A_46, %dma_wait3A_159] : memref<64x112xi32, #tpu.memory_space<vmem>> -> memref<1x112xi32, #tpu.memory_space<vmem>>
      %dma_wait3A_161 = tpu.memref_squeeze %dma_wait3A_160 : memref<1x112xi32, #tpu.memory_space<vmem>> -> memref<112xi32, #tpu.memory_space<vmem>>
      %dma_wait3A_162 = arith.constant 0 : i32
      %dma_wait3A_163 = arith.constant 0 : i32
      %dma_wait3A_164 = tpu.memref_slice %arg2[%dma_wait3A_162, %dma_wait3A_163] : memref<100000x32xi32, #tpu.memory_space<hbm>> -> memref<100000x32xi32, #tpu.memory_space<hbm>>
      tpu.wait_indirect_dma semaphore(%arg25 : memref<!tpu.dma_semaphore, #tpu.memory_space<semaphore_mem>>) src(%dma_wait3A_164 : memref<100000x32xi32, #tpu.memory_space<hbm>>) dst(%arg18 : memref<112x32xi32, #tpu.memory_space<vmem>>)
      %dma_wait3A_165 = arith.constant 0 : i32
      %dma_wait3A_166 = tpu.memref_slice %arg14[%add3A_46, %dma_wait3A_165] : memref<64x112xi32, #tpu.memory_space<vmem>> -> memref<1x112xi32, #tpu.memory_space<vmem>>
      %dma_wait3A_167 = tpu.memref_squeeze %dma_wait3A_166 : memref<1x112xi32, #tpu.memory_space<vmem>> -> memref<112xi32, #tpu.memory_space<vmem>>
      %dma_wait3A_168 = arith.constant 0 : i32
      %dma_wait3A_169 = arith.constant 0 : i32
      %dma_wait3A_170 = tpu.memref_slice %arg3[%dma_wait3A_168, %dma_wait3A_169] : memref<100000x32xi32, #tpu.memory_space<hbm>> -> memref<100000x32xi32, #tpu.memory_space<hbm>>
      tpu.wait_indirect_dma semaphore(%arg27 : memref<!tpu.dma_semaphore, #tpu.memory_space<semaphore_mem>>) src(%dma_wait3A_170 : memref<100000x32xi32, #tpu.memory_space<hbm>>) dst(%arg20 : memref<112x32xi32, #tpu.memory_space<vmem>>)
      %mul3A_171 = arith.constant 2 : i32
      %mul3A_172 = arith.muli %add3A_46, %mul3A_171 : i32
      %add3A_173 = arith.constant 0 : i32
      %add3A_174 = arith.addi %mul3A_172, %add3A_173 : i32
      %parallel_loop3A_175 = arith.constant 0 : i32
      %parallel_loop3A_176 = arith.constant 50 : i32
      %parallel_loop3A_177 = arith.constant 1 : i32
      %parallel_loop3A_178:8 = scf.for %parallel_loop3A_259 = %parallel_loop3A_175 to %parallel_loop3A_176 step %parallel_loop3A_177 iter_args(%parallel_loop3A_260 = %broadcast_in_dim3A_11, %parallel_loop3A_261 = %broadcast_in_dim3A_11, %parallel_loop3A_262 = %broadcast_in_dim3A_11, %parallel_loop3A_263 = %broadcast_in_dim3A_11, %parallel_loop3A_264 = %broadcast_in_dim3A_11, %parallel_loop3A_265 = %broadcast_in_dim3A_11, %parallel_loop3A_266 = %broadcast_in_dim3A_11, %parallel_loop3A_267 = %broadcast_in_dim3A_11) -> (vector<16xf32>, vector<16xf32>, vector<16xf32>, vector<16xf32>, vector<16xf32>, vector<16xf32>, vector<16xf32>, vector<16xf32>)  : i32 {
        %parallel_loop3A_268 = arith.constant 16 : i32
        %parallel_loop3A_269 = arith.divsi %parallel_loop3A_259, %parallel_loop3A_268 : i32
        %parallel_loop3A_270 = arith.constant 0 : i32
        %parallel_loop3A_271 = arith.cmpi sgt, %parallel_loop3A_259, %parallel_loop3A_270 : i32
        %parallel_loop3A_272 = arith.extui %parallel_loop3A_271 : i1 to i32
        %parallel_loop3A_273 = arith.constant 0 : i32
        %parallel_loop3A_274 = arith.cmpi slt, %parallel_loop3A_259, %parallel_loop3A_273 : i32
        %parallel_loop3A_275 = arith.extui %parallel_loop3A_274 : i1 to i32
        %parallel_loop3A_276 = arith.subi %parallel_loop3A_272, %parallel_loop3A_275 : i32
        %parallel_loop3A_277 = arith.constant 0 : i32
        %parallel_loop3A_278 = arith.cmpi sgt, %parallel_loop3A_268, %parallel_loop3A_277 : i32
        %parallel_loop3A_279 = arith.extui %parallel_loop3A_278 : i1 to i32
        %parallel_loop3A_280 = arith.constant 0 : i32
        %parallel_loop3A_281 = arith.cmpi slt, %parallel_loop3A_268, %parallel_loop3A_280 : i32
        %parallel_loop3A_282 = arith.extui %parallel_loop3A_281 : i1 to i32
        %parallel_loop3A_283 = arith.subi %parallel_loop3A_279, %parallel_loop3A_282 : i32
        %parallel_loop3A_284 = arith.cmpi ne, %parallel_loop3A_276, %parallel_loop3A_283 : i32
        %parallel_loop3A_285 = arith.remsi %parallel_loop3A_259, %parallel_loop3A_268 : i32
        %parallel_loop3A_286 = arith.constant 0 : i32
        %parallel_loop3A_287 = arith.cmpi ne, %parallel_loop3A_285, %parallel_loop3A_286 : i32
        %parallel_loop3A_288 = arith.andi %parallel_loop3A_284, %parallel_loop3A_287 : i1
        %parallel_loop3A_289 = arith.constant 1 : i32
        %parallel_loop3A_290 = arith.subi %parallel_loop3A_269, %parallel_loop3A_289 : i32
        %parallel_loop3A_291 = arith.select %parallel_loop3A_288, %parallel_loop3A_290, %parallel_loop3A_269 : i32
        %parallel_loop3A_292 = arith.constant 16 : i32
        %parallel_loop3A_293 = arith.muli %parallel_loop3A_291, %parallel_loop3A_292 : i32
        %parallel_loop3A_294 = arith.subi %parallel_loop3A_259, %parallel_loop3A_293 : i32
        %parallel_loop3A_295 = tpu.assume_multiple %parallel_loop3A_293, 8 : i32
        %parallel_loop3A_296 = arith.index_cast %add3A_46 : i32 to index
        %parallel_loop3A_297 = arith.index_cast %parallel_loop3A_295 : i32 to index
        %parallel_loop3A_298 = tpu.vector_load %arg13[%parallel_loop3A_296, %parallel_loop3A_297] {strides = array<i32>} : memref<64x112xi32, #tpu.memory_space<vmem>>, vector<16xi32>,
        %parallel_loop3A_299 = vector.broadcast %parallel_loop3A_294 : i32 to vector<16xi32>
        %parallel_loop3A_300 = arith.constant 0 : i32
        %parallel_loop3A_301 = vector.broadcast %parallel_loop3A_300 : i32 to vector<16xi32>
        %parallel_loop3A_302 = arith.cmpi slt, %parallel_loop3A_299, %parallel_loop3A_301 : vector<16xi32>
        %parallel_loop3A_303 = arith.constant 16 : i32
        %parallel_loop3A_304 = vector.broadcast %parallel_loop3A_303 : i32 to vector<16xi32>
        %parallel_loop3A_305 = arith.addi %parallel_loop3A_299, %parallel_loop3A_304 : vector<16xi32>
        %parallel_loop3A_306 = arith.select %parallel_loop3A_302, %parallel_loop3A_305, %parallel_loop3A_299 : vector<16xi1>, vector<16xi32>
        %parallel_loop3A_307 = vector.shape_cast %parallel_loop3A_306 : vector<16xi32> to vector<16x1xi32>
        %parallel_loop3A_308 = vector.shape_cast %parallel_loop3A_307 : vector<16x1xi32> to vector<16xi32>
        %parallel_loop3A_309 = tpu.dynamic_gather %parallel_loop3A_298[%parallel_loop3A_308] in [0] : vector<16xi32>, vector<16xi32> -> vector<16xi32>
        %parallel_loop3A_310 = arith.index_cast %parallel_loop3A_259 : i32 to index
        %parallel_loop3A_311 = arith.constant 0 : index
        %parallel_loop3A_312 = tpu.vector_load %arg18[%parallel_loop3A_310, %parallel_loop3A_311] {strides = array<i32>} : memref<112x32xi32, #tpu.memory_space<vmem>>, vector<16xi32>,
        %parallel_loop3A_313 = vector.bitcast %parallel_loop3A_312 : vector<16xi32> to vector<32xbf16>
        %parallel_loop3A_314 = tpu.unpack_subelements %parallel_loop3A_313, 0 {pack_format = #tpu.pack_format<interleaved>} : vector<32xbf16> -> vector<16xf32>
        %parallel_loop3A_315 = tpu.unpack_subelements %parallel_loop3A_313, 1 {pack_format = #tpu.pack_format<interleaved>} : vector<32xbf16> -> vector<16xf32>
        %parallel_loop3A_316 = arith.addi %parallel_loop3A_309, %add3A_14 : vector<16xi32>
        %parallel_loop3A_317 = tpu.vector_load_idx %arg16[%parallel_loop3A_316] : memref<256xi32, #tpu.memory_space<vmem>>[vector<16xi32>], vector<16xi32>,
        %parallel_loop3A_318 = vector.bitcast %parallel_loop3A_317 : vector<16xi32> to vector<32xbf16>
        %parallel_loop3A_319 = tpu.unpack_subelements %parallel_loop3A_318, 0 {pack_format = #tpu.pack_format<interleaved>} : vector<32xbf16> -> vector<16xf32>
        %parallel_loop3A_320 = tpu.unpack_subelements %parallel_loop3A_318, 1 {pack_format = #tpu.pack_format<interleaved>} : vector<32xbf16> -> vector<16xf32>
        %parallel_loop3A_321 = arith.index_cast %parallel_loop3A_259 : i32 to index
        %parallel_loop3A_322 = arith.constant 0 : index
        %parallel_loop3A_323 = tpu.vector_load %arg20[%parallel_loop3A_321, %parallel_loop3A_322] {strides = array<i32>} : memref<112x32xi32, #tpu.memory_space<vmem>>, vector<16xi32>,
        %parallel_loop3A_324 = vector.bitcast %parallel_loop3A_323 : vector<16xi32> to vector<32xbf16>
        %parallel_loop3A_325 = tpu.unpack_subelements %parallel_loop3A_324, 0 {pack_format = #tpu.pack_format<interleaved>} : vector<32xbf16> -> vector<16xf32>
        %parallel_loop3A_326 = tpu.unpack_subelements %parallel_loop3A_324, 1 {pack_format = #tpu.pack_format<interleaved>} : vector<32xbf16> -> vector<16xf32>
        %parallel_loop3A_327 = arith.addf %parallel_loop3A_314, %parallel_loop3A_319 : vector<16xf32>
        %parallel_loop3A_328 = arith.constant 0.000000e+00 : f32
        %parallel_loop3A_329 = vector.broadcast %parallel_loop3A_328 : f32 to vector<16xf32>
        %parallel_loop3A_330 = arith.maximumf %parallel_loop3A_327, %parallel_loop3A_329 : vector<16xf32>
        %parallel_loop3A_331 = arith.addf %parallel_loop3A_260, %parallel_loop3A_330 : vector<16xf32>
        %parallel_loop3A_332 = arith.addf %parallel_loop3A_315, %parallel_loop3A_320 : vector<16xf32>
        %parallel_loop3A_333 = arith.constant 0.000000e+00 : f32
        %parallel_loop3A_334 = vector.broadcast %parallel_loop3A_333 : f32 to vector<16xf32>
        %parallel_loop3A_335 = arith.maximumf %parallel_loop3A_332, %parallel_loop3A_334 : vector<16xf32>
        %parallel_loop3A_336 = arith.addf %parallel_loop3A_261, %parallel_loop3A_335 : vector<16xf32>
        %parallel_loop3A_337 = arith.addf %parallel_loop3A_264, %parallel_loop3A_325 : vector<16xf32>
        %parallel_loop3A_338 = arith.addf %parallel_loop3A_265, %parallel_loop3A_326 : vector<16xf32>
        %parallel_loop3A_339 = arith.index_cast %parallel_loop3A_259 : i32 to index
        %parallel_loop3A_340 = arith.constant 16 : index
        %parallel_loop3A_341 = tpu.vector_load %arg18[%parallel_loop3A_339, %parallel_loop3A_340] {strides = array<i32>} : memref<112x32xi32, #tpu.memory_space<vmem>>, vector<16xi32>,
        %parallel_loop3A_342 = vector.bitcast %parallel_loop3A_341 : vector<16xi32> to vector<32xbf16>
        %parallel_loop3A_343 = tpu.unpack_subelements %parallel_loop3A_342, 0 {pack_format = #tpu.pack_format<interleaved>} : vector<32xbf16> -> vector<16xf32>
        %parallel_loop3A_344 = tpu.unpack_subelements %parallel_loop3A_342, 1 {pack_format = #tpu.pack_format<interleaved>} : vector<32xbf16> -> vector<16xf32>
        %parallel_loop3A_345 = arith.addi %parallel_loop3A_309, %add3A_17 : vector<16xi32>
        %parallel_loop3A_346 = tpu.vector_load_idx %arg16[%parallel_loop3A_345] : memref<256xi32, #tpu.memory_space<vmem>>[vector<16xi32>], vector<16xi32>,
        %parallel_loop3A_347 = vector.bitcast %parallel_loop3A_346 : vector<16xi32> to vector<32xbf16>
        %parallel_loop3A_348 = tpu.unpack_subelements %parallel_loop3A_347, 0 {pack_format = #tpu.pack_format<interleaved>} : vector<32xbf16> -> vector<16xf32>
        %parallel_loop3A_349 = tpu.unpack_subelements %parallel_loop3A_347, 1 {pack_format = #tpu.pack_format<interleaved>} : vector<32xbf16> -> vector<16xf32>
        %parallel_loop3A_350 = arith.index_cast %parallel_loop3A_259 : i32 to index
        %parallel_loop3A_351 = arith.constant 16 : index
        %parallel_loop3A_352 = tpu.vector_load %arg20[%parallel_loop3A_350, %parallel_loop3A_351] {strides = array<i32>} : memref<112x32xi32, #tpu.memory_space<vmem>>, vector<16xi32>,
        %parallel_loop3A_353 = vector.bitcast %parallel_loop3A_352 : vector<16xi32> to vector<32xbf16>
        %parallel_loop3A_354 = tpu.unpack_subelements %parallel_loop3A_353, 0 {pack_format = #tpu.pack_format<interleaved>} : vector<32xbf16> -> vector<16xf32>
        %parallel_loop3A_355 = tpu.unpack_subelements %parallel_loop3A_353, 1 {pack_format = #tpu.pack_format<interleaved>} : vector<32xbf16> -> vector<16xf32>
        %parallel_loop3A_356 = arith.addf %parallel_loop3A_343, %parallel_loop3A_348 : vector<16xf32>
        %parallel_loop3A_357 = arith.constant 0.000000e+00 : f32
        %parallel_loop3A_358 = vector.broadcast %parallel_loop3A_357 : f32 to vector<16xf32>
        %parallel_loop3A_359 = arith.maximumf %parallel_loop3A_356, %parallel_loop3A_358 : vector<16xf32>
        %parallel_loop3A_360 = arith.addf %parallel_loop3A_262, %parallel_loop3A_359 : vector<16xf32>
        %parallel_loop3A_361 = arith.addf %parallel_loop3A_344, %parallel_loop3A_349 : vector<16xf32>
        %parallel_loop3A_362 = arith.constant 0.000000e+00 : f32
        %parallel_loop3A_363 = vector.broadcast %parallel_loop3A_362 : f32 to vector<16xf32>
        %parallel_loop3A_364 = arith.maximumf %parallel_loop3A_361, %parallel_loop3A_363 : vector<16xf32>
        %parallel_loop3A_365 = arith.addf %parallel_loop3A_263, %parallel_loop3A_364 : vector<16xf32>
        %parallel_loop3A_366 = arith.addf %parallel_loop3A_266, %parallel_loop3A_354 : vector<16xf32>
        %parallel_loop3A_367 = arith.addf %parallel_loop3A_267, %parallel_loop3A_355 : vector<16xf32>
        scf.yield %parallel_loop3A_331, %parallel_loop3A_336, %parallel_loop3A_360, %parallel_loop3A_365, %parallel_loop3A_337, %parallel_loop3A_338, %parallel_loop3A_366, %parallel_loop3A_367 : vector<16xf32>, vector<16xf32>, vector<16xf32>, vector<16xf32>, vector<16xf32>, vector<16xf32>, vector<16xf32>, vector<16xf32>
      } {sc.loop_unroll_factor = 2 : i64, sc.parallel_access}
      %mul3A_179 = vector.broadcast %scan3A_32 : f32 to vector<16xf32>
      %mul3A_180 = arith.mulf %parallel_loop3A_178#0, %mul3A_179 : vector<16xf32>
      %mul3A_181 = vector.broadcast %scan3A_32 : f32 to vector<16xf32>
      %mul3A_182 = arith.mulf %parallel_loop3A_178#1, %mul3A_181 : vector<16xf32>
      %pack3A_183 = tpu.pack_subelements %mul3A_180, %mul3A_182 {pack_format = #tpu.pack_format<interleaved>, positions = array<i32: 0, 1>} : vector<16xf32>, vector<16xf32> -> vector<32xbf16>
      %bitcast3A_184 = vector.bitcast %pack3A_183 : vector<32xbf16> to vector<16xi32>
      %swap3A_185 = arith.index_cast %add3A_174 : i32 to index
      %swap3A_186 = arith.constant 0 : index
      %swap3A_187 = tpu.vector_load %arg22[%swap3A_185, %swap3A_186] {strides = array<i32>} : memref<128x32xi32, #tpu.memory_space<vmem>>, vector<16xi32>,
      tpu.vector_store %arg22[%swap3A_185, %swap3A_186], %bitcast3A_184 {strides = array<i32>} : memref<128x32xi32, #tpu.memory_space<vmem>>, vector<16xi32>,
      %mul3A_188 = vector.broadcast %scan3A_32 : f32 to vector<16xf32>
      %mul3A_189 = arith.mulf %parallel_loop3A_178#4, %mul3A_188 : vector<16xf32>
      %mul3A_190 = vector.broadcast %scan3A_32 : f32 to vector<16xf32>
      %mul3A_191 = arith.mulf %parallel_loop3A_178#5, %mul3A_190 : vector<16xf32>
      %pack3A_192 = tpu.pack_subelements %mul3A_189, %mul3A_191 {pack_format = #tpu.pack_format<interleaved>, positions = array<i32: 0, 1>} : vector<16xf32>, vector<16xf32> -> vector<32xbf16>
      %bitcast3A_193 = vector.bitcast %pack3A_192 : vector<32xbf16> to vector<16xi32>
      %swap3A_194 = arith.index_cast %add3A_174 : i32 to index
      %swap3A_195 = arith.constant 0 : index
      %swap3A_196 = tpu.vector_load %arg23[%swap3A_194, %swap3A_195] {strides = array<i32>} : memref<128x32xi32, #tpu.memory_space<vmem>>, vector<16xi32>,
      tpu.vector_store %arg23[%swap3A_194, %swap3A_195], %bitcast3A_193 {strides = array<i32>} : memref<128x32xi32, #tpu.memory_space<vmem>>, vector<16xi32>,
      %mul3A_197 = vector.broadcast %scan3A_32 : f32 to vector<16xf32>
      %mul3A_198 = arith.mulf %parallel_loop3A_178#2, %mul3A_197 : vector<16xf32>
      %mul3A_199 = vector.broadcast %scan3A_32 : f32 to vector<16xf32>
      %mul3A_200 = arith.mulf %parallel_loop3A_178#3, %mul3A_199 : vector<16xf32>
      %pack3A_201 = tpu.pack_subelements %mul3A_198, %mul3A_200 {pack_format = #tpu.pack_format<interleaved>, positions = array<i32: 0, 1>} : vector<16xf32>, vector<16xf32> -> vector<32xbf16>
      %bitcast3A_202 = vector.bitcast %pack3A_201 : vector<32xbf16> to vector<16xi32>
      %swap3A_203 = arith.index_cast %add3A_174 : i32 to index
      %swap3A_204 = arith.constant 16 : index
      %swap3A_205 = tpu.vector_load %arg22[%swap3A_203, %swap3A_204] {strides = array<i32>} : memref<128x32xi32, #tpu.memory_space<vmem>>, vector<16xi32>,
      tpu.vector_store %arg22[%swap3A_203, %swap3A_204], %bitcast3A_202 {strides = array<i32>} : memref<128x32xi32, #tpu.memory_space<vmem>>, vector<16xi32>,
      %mul3A_206 = vector.broadcast %scan3A_32 : f32 to vector<16xf32>
      %mul3A_207 = arith.mulf %parallel_loop3A_178#6, %mul3A_206 : vector<16xf32>
      %mul3A_208 = vector.broadcast %scan3A_32 : f32 to vector<16xf32>
      %mul3A_209 = arith.mulf %parallel_loop3A_178#7, %mul3A_208 : vector<16xf32>
      %pack3A_210 = tpu.pack_subelements %mul3A_207, %mul3A_209 {pack_format = #tpu.pack_format<interleaved>, positions = array<i32: 0, 1>} : vector<16xf32>, vector<16xf32> -> vector<32xbf16>
      %bitcast3A_211 = vector.bitcast %pack3A_210 : vector<32xbf16> to vector<16xi32>
      %swap3A_212 = arith.index_cast %add3A_174 : i32 to index
      %swap3A_213 = arith.constant 16 : index
      %swap3A_214 = tpu.vector_load %arg23[%swap3A_212, %swap3A_213] {strides = array<i32>} : memref<128x32xi32, #tpu.memory_space<vmem>>, vector<16xi32>,
      tpu.vector_store %arg23[%swap3A_212, %swap3A_213], %bitcast3A_211 {strides = array<i32>} : memref<128x32xi32, #tpu.memory_space<vmem>>, vector<16xi32>,
      %mul3A_215 = arith.constant 2 : i32
      %mul3A_216 = arith.muli %add3A_46, %mul3A_215 : i32
      %add3A_217 = arith.constant 1 : i32
      %add3A_218 = arith.addi %mul3A_216, %add3A_217 : i32
      %parallel_loop3A_219 = arith.constant 56 : i32
      %parallel_loop3A_220 = arith.constant 106 : i32
      %parallel_loop3A_221 = arith.constant 1 : i32
      %parallel_loop3A_222:8 = scf.for %parallel_loop3A_259 = %parallel_loop3A_219 to %parallel_loop3A_220 step %parallel_loop3A_221 iter_args(%parallel_loop3A_260 = %broadcast_in_dim3A_11, %parallel_loop3A_261 = %broadcast_in_dim3A_11, %parallel_loop3A_262 = %broadcast_in_dim3A_11, %parallel_loop3A_263 = %broadcast_in_dim3A_11, %parallel_loop3A_264 = %broadcast_in_dim3A_11, %parallel_loop3A_265 = %broadcast_in_dim3A_11, %parallel_loop3A_266 = %broadcast_in_dim3A_11, %parallel_loop3A_267 = %broadcast_in_dim3A_11) -> (vector<16xf32>, vector<16xf32>, vector<16xf32>, vector<16xf32>, vector<16xf32>, vector<16xf32>, vector<16xf32>, vector<16xf32>)  : i32 {
        %parallel_loop3A_268 = arith.constant 16 : i32
        %parallel_loop3A_269 = arith.divsi %parallel_loop3A_259, %parallel_loop3A_268 : i32
        %parallel_loop3A_270 = arith.constant 0 : i32
        %parallel_loop3A_271 = arith.cmpi sgt, %parallel_loop3A_259, %parallel_loop3A_270 : i32
        %parallel_loop3A_272 = arith.extui %parallel_loop3A_271 : i1 to i32
        %parallel_loop3A_273 = arith.constant 0 : i32
        %parallel_loop3A_274 = arith.cmpi slt, %parallel_loop3A_259, %parallel_loop3A_273 : i32
        %parallel_loop3A_275 = arith.extui %parallel_loop3A_274 : i1 to i32
        %parallel_loop3A_276 = arith.subi %parallel_loop3A_272, %parallel_loop3A_275 : i32
        %parallel_loop3A_277 = arith.constant 0 : i32
        %parallel_loop3A_278 = arith.cmpi sgt, %parallel_loop3A_268, %parallel_loop3A_277 : i32
        %parallel_loop3A_279 = arith.extui %parallel_loop3A_278 : i1 to i32
        %parallel_loop3A_280 = arith.constant 0 : i32
        %parallel_loop3A_281 = arith.cmpi slt, %parallel_loop3A_268, %parallel_loop3A_280 : i32
        %parallel_loop3A_282 = arith.extui %parallel_loop3A_281 : i1 to i32
        %parallel_loop3A_283 = arith.subi %parallel_loop3A_279, %parallel_loop3A_282 : i32
        %parallel_loop3A_284 = arith.cmpi ne, %parallel_loop3A_276, %parallel_loop3A_283 : i32
        %parallel_loop3A_285 = arith.remsi %parallel_loop3A_259, %parallel_loop3A_268 : i32
        %parallel_loop3A_286 = arith.constant 0 : i32
        %parallel_loop3A_287 = arith.cmpi ne, %parallel_loop3A_285, %parallel_loop3A_286 : i32
        %parallel_loop3A_288 = arith.andi %parallel_loop3A_284, %parallel_loop3A_287 : i1
        %parallel_loop3A_289 = arith.constant 1 : i32
        %parallel_loop3A_290 = arith.subi %parallel_loop3A_269, %parallel_loop3A_289 : i32
        %parallel_loop3A_291 = arith.select %parallel_loop3A_288, %parallel_loop3A_290, %parallel_loop3A_269 : i32
        %parallel_loop3A_292 = arith.constant 16 : i32
        %parallel_loop3A_293 = arith.muli %parallel_loop3A_291, %parallel_loop3A_292 : i32
        %parallel_loop3A_294 = arith.subi %parallel_loop3A_259, %parallel_loop3A_293 : i32
        %parallel_loop3A_295 = tpu.assume_multiple %parallel_loop3A_293, 8 : i32
        %parallel_loop3A_296 = arith.index_cast %add3A_46 : i32 to index
        %parallel_loop3A_297 = arith.index_cast %parallel_loop3A_295 : i32 to index
        %parallel_loop3A_298 = tpu.vector_load %arg13[%parallel_loop3A_296, %parallel_loop3A_297] {strides = array<i32>} : memref<64x112xi32, #tpu.memory_space<vmem>>, vector<16xi32>,
        %parallel_loop3A_299 = vector.broadcast %parallel_loop3A_294 : i32 to vector<16xi32>
        %parallel_loop3A_300 = arith.constant 0 : i32
        %parallel_loop3A_301 = vector.broadcast %parallel_loop3A_300 : i32 to vector<16xi32>
        %parallel_loop3A_302 = arith.cmpi slt, %parallel_loop3A_299, %parallel_loop3A_301 : vector<16xi32>
        %parallel_loop3A_303 = arith.constant 16 : i32
        %parallel_loop3A_304 = vector.broadcast %parallel_loop3A_303 : i32 to vector<16xi32>
        %parallel_loop3A_305 = arith.addi %parallel_loop3A_299, %parallel_loop3A_304 : vector<16xi32>
        %parallel_loop3A_306 = arith.select %parallel_loop3A_302, %parallel_loop3A_305, %parallel_loop3A_299 : vector<16xi1>, vector<16xi32>
        %parallel_loop3A_307 = vector.shape_cast %parallel_loop3A_306 : vector<16xi32> to vector<16x1xi32>
        %parallel_loop3A_308 = vector.shape_cast %parallel_loop3A_307 : vector<16x1xi32> to vector<16xi32>
        %parallel_loop3A_309 = tpu.dynamic_gather %parallel_loop3A_298[%parallel_loop3A_308] in [0] : vector<16xi32>, vector<16xi32> -> vector<16xi32>
        %parallel_loop3A_310 = arith.index_cast %parallel_loop3A_259 : i32 to index
        %parallel_loop3A_311 = arith.constant 0 : index
        %parallel_loop3A_312 = tpu.vector_load %arg18[%parallel_loop3A_310, %parallel_loop3A_311] {strides = array<i32>} : memref<112x32xi32, #tpu.memory_space<vmem>>, vector<16xi32>,
        %parallel_loop3A_313 = vector.bitcast %parallel_loop3A_312 : vector<16xi32> to vector<32xbf16>
        %parallel_loop3A_314 = tpu.unpack_subelements %parallel_loop3A_313, 0 {pack_format = #tpu.pack_format<interleaved>} : vector<32xbf16> -> vector<16xf32>
        %parallel_loop3A_315 = tpu.unpack_subelements %parallel_loop3A_313, 1 {pack_format = #tpu.pack_format<interleaved>} : vector<32xbf16> -> vector<16xf32>
        %parallel_loop3A_316 = arith.addi %parallel_loop3A_309, %add3A_14 : vector<16xi32>
        %parallel_loop3A_317 = tpu.vector_load_idx %arg16[%parallel_loop3A_316] : memref<256xi32, #tpu.memory_space<vmem>>[vector<16xi32>], vector<16xi32>,
        %parallel_loop3A_318 = vector.bitcast %parallel_loop3A_317 : vector<16xi32> to vector<32xbf16>
        %parallel_loop3A_319 = tpu.unpack_subelements %parallel_loop3A_318, 0 {pack_format = #tpu.pack_format<interleaved>} : vector<32xbf16> -> vector<16xf32>
        %parallel_loop3A_320 = tpu.unpack_subelements %parallel_loop3A_318, 1 {pack_format = #tpu.pack_format<interleaved>} : vector<32xbf16> -> vector<16xf32>
        %parallel_loop3A_321 = arith.index_cast %parallel_loop3A_259 : i32 to index
        %parallel_loop3A_322 = arith.constant 0 : index
        %parallel_loop3A_323 = tpu.vector_load %arg20[%parallel_loop3A_321, %parallel_loop3A_322] {strides = array<i32>} : memref<112x32xi32, #tpu.memory_space<vmem>>, vector<16xi32>,
        %parallel_loop3A_324 = vector.bitcast %parallel_loop3A_323 : vector<16xi32> to vector<32xbf16>
        %parallel_loop3A_325 = tpu.unpack_subelements %parallel_loop3A_324, 0 {pack_format = #tpu.pack_format<interleaved>} : vector<32xbf16> -> vector<16xf32>
        %parallel_loop3A_326 = tpu.unpack_subelements %parallel_loop3A_324, 1 {pack_format = #tpu.pack_format<interleaved>} : vector<32xbf16> -> vector<16xf32>
        %parallel_loop3A_327 = arith.addf %parallel_loop3A_314, %parallel_loop3A_319 : vector<16xf32>
        %parallel_loop3A_328 = arith.constant 0.000000e+00 : f32
        %parallel_loop3A_329 = vector.broadcast %parallel_loop3A_328 : f32 to vector<16xf32>
        %parallel_loop3A_330 = arith.maximumf %parallel_loop3A_327, %parallel_loop3A_329 : vector<16xf32>
        %parallel_loop3A_331 = arith.addf %parallel_loop3A_260, %parallel_loop3A_330 : vector<16xf32>
        %parallel_loop3A_332 = arith.addf %parallel_loop3A_315, %parallel_loop3A_320 : vector<16xf32>
        %parallel_loop3A_333 = arith.constant 0.000000e+00 : f32
        %parallel_loop3A_334 = vector.broadcast %parallel_loop3A_333 : f32 to vector<16xf32>
        %parallel_loop3A_335 = arith.maximumf %parallel_loop3A_332, %parallel_loop3A_334 : vector<16xf32>
        %parallel_loop3A_336 = arith.addf %parallel_loop3A_261, %parallel_loop3A_335 : vector<16xf32>
        %parallel_loop3A_337 = arith.addf %parallel_loop3A_264, %parallel_loop3A_325 : vector<16xf32>
        %parallel_loop3A_338 = arith.addf %parallel_loop3A_265, %parallel_loop3A_326 : vector<16xf32>
        %parallel_loop3A_339 = arith.index_cast %parallel_loop3A_259 : i32 to index
        %parallel_loop3A_340 = arith.constant 16 : index
        %parallel_loop3A_341 = tpu.vector_load %arg18[%parallel_loop3A_339, %parallel_loop3A_340] {strides = array<i32>} : memref<112x32xi32, #tpu.memory_space<vmem>>, vector<16xi32>,
        %parallel_loop3A_342 = vector.bitcast %parallel_loop3A_341 : vector<16xi32> to vector<32xbf16>
        %parallel_loop3A_343 = tpu.unpack_subelements %parallel_loop3A_342, 0 {pack_format = #tpu.pack_format<interleaved>} : vector<32xbf16> -> vector<16xf32>
        %parallel_loop3A_344 = tpu.unpack_subelements %parallel_loop3A_342, 1 {pack_format = #tpu.pack_format<interleaved>} : vector<32xbf16> -> vector<16xf32>
        %parallel_loop3A_345 = arith.addi %parallel_loop3A_309, %add3A_17 : vector<16xi32>
        %parallel_loop3A_346 = tpu.vector_load_idx %arg16[%parallel_loop3A_345] : memref<256xi32, #tpu.memory_space<vmem>>[vector<16xi32>], vector<16xi32>,
        %parallel_loop3A_347 = vector.bitcast %parallel_loop3A_346 : vector<16xi32> to vector<32xbf16>
        %parallel_loop3A_348 = tpu.unpack_subelements %parallel_loop3A_347, 0 {pack_format = #tpu.pack_format<interleaved>} : vector<32xbf16> -> vector<16xf32>
        %parallel_loop3A_349 = tpu.unpack_subelements %parallel_loop3A_347, 1 {pack_format = #tpu.pack_format<interleaved>} : vector<32xbf16> -> vector<16xf32>
        %parallel_loop3A_350 = arith.index_cast %parallel_loop3A_259 : i32 to index
        %parallel_loop3A_351 = arith.constant 16 : index
        %parallel_loop3A_352 = tpu.vector_load %arg20[%parallel_loop3A_350, %parallel_loop3A_351] {strides = array<i32>} : memref<112x32xi32, #tpu.memory_space<vmem>>, vector<16xi32>,
        %parallel_loop3A_353 = vector.bitcast %parallel_loop3A_352 : vector<16xi32> to vector<32xbf16>
        %parallel_loop3A_354 = tpu.unpack_subelements %parallel_loop3A_353, 0 {pack_format = #tpu.pack_format<interleaved>} : vector<32xbf16> -> vector<16xf32>
        %parallel_loop3A_355 = tpu.unpack_subelements %parallel_loop3A_353, 1 {pack_format = #tpu.pack_format<interleaved>} : vector<32xbf16> -> vector<16xf32>
        %parallel_loop3A_356 = arith.addf %parallel_loop3A_343, %parallel_loop3A_348 : vector<16xf32>
        %parallel_loop3A_357 = arith.constant 0.000000e+00 : f32
        %parallel_loop3A_358 = vector.broadcast %parallel_loop3A_357 : f32 to vector<16xf32>
        %parallel_loop3A_359 = arith.maximumf %parallel_loop3A_356, %parallel_loop3A_358 : vector<16xf32>
        %parallel_loop3A_360 = arith.addf %parallel_loop3A_262, %parallel_loop3A_359 : vector<16xf32>
        %parallel_loop3A_361 = arith.addf %parallel_loop3A_344, %parallel_loop3A_349 : vector<16xf32>
        %parallel_loop3A_362 = arith.constant 0.000000e+00 : f32
        %parallel_loop3A_363 = vector.broadcast %parallel_loop3A_362 : f32 to vector<16xf32>
        %parallel_loop3A_364 = arith.maximumf %parallel_loop3A_361, %parallel_loop3A_363 : vector<16xf32>
        %parallel_loop3A_365 = arith.addf %parallel_loop3A_263, %parallel_loop3A_364 : vector<16xf32>
        %parallel_loop3A_366 = arith.addf %parallel_loop3A_266, %parallel_loop3A_354 : vector<16xf32>
        %parallel_loop3A_367 = arith.addf %parallel_loop3A_267, %parallel_loop3A_355 : vector<16xf32>
        scf.yield %parallel_loop3A_331, %parallel_loop3A_336, %parallel_loop3A_360, %parallel_loop3A_365, %parallel_loop3A_337, %parallel_loop3A_338, %parallel_loop3A_366, %parallel_loop3A_367 : vector<16xf32>, vector<16xf32>, vector<16xf32>, vector<16xf32>, vector<16xf32>, vector<16xf32>, vector<16xf32>, vector<16xf32>
      } {sc.loop_unroll_factor = 2 : i64, sc.parallel_access}
      %mul3A_223 = vector.broadcast %scan3A_32 : f32 to vector<16xf32>
      %mul3A_224 = arith.mulf %parallel_loop3A_222#0, %mul3A_223 : vector<16xf32>
      %mul3A_225 = vector.broadcast %scan3A_32 : f32 to vector<16xf32>
      %mul3A_226 = arith.mulf %parallel_loop3A_222#1, %mul3A_225 : vector<16xf32>
      %pack3A_227 = tpu.pack_subelements %mul3A_224, %mul3A_226 {pack_format = #tpu.pack_format<interleaved>, positions = array<i32: 0, 1>} : vector<16xf32>, vector<16xf32> -> vector<32xbf16>
      %bitcast3A_228 = vector.bitcast %pack3A_227 : vector<32xbf16> to vector<16xi32>
      %swap3A_229 = arith.index_cast %add3A_218 : i32 to index
      %swap3A_230 = arith.constant 0 : index
      %swap3A_231 = tpu.vector_load %arg22[%swap3A_229, %swap3A_230] {strides = array<i32>} : memref<128x32xi32, #tpu.memory_space<vmem>>, vector<16xi32>,
      tpu.vector_store %arg22[%swap3A_229, %swap3A_230], %bitcast3A_228 {strides = array<i32>} : memref<128x32xi32, #tpu.memory_space<vmem>>, vector<16xi32>,
      %mul3A_232 = vector.broadcast %scan3A_32 : f32 to vector<16xf32>
      %mul3A_233 = arith.mulf %parallel_loop3A_222#4, %mul3A_232 : vector<16xf32>
      %mul3A_234 = vector.broadcast %scan3A_32 : f32 to vector<16xf32>
      %mul3A_235 = arith.mulf %parallel_loop3A_222#5, %mul3A_234 : vector<16xf32>
      %pack3A_236 = tpu.pack_subelements %mul3A_233, %mul3A_235 {pack_format = #tpu.pack_format<interleaved>, positions = array<i32: 0, 1>} : vector<16xf32>, vector<16xf32> -> vector<32xbf16>
      %bitcast3A_237 = vector.bitcast %pack3A_236 : vector<32xbf16> to vector<16xi32>
      %swap3A_238 = arith.index_cast %add3A_218 : i32 to index
      %swap3A_239 = arith.constant 0 : index
      %swap3A_240 = tpu.vector_load %arg23[%swap3A_238, %swap3A_239] {strides = array<i32>} : memref<128x32xi32, #tpu.memory_space<vmem>>, vector<16xi32>,
      tpu.vector_store %arg23[%swap3A_238, %swap3A_239], %bitcast3A_237 {strides = array<i32>} : memref<128x32xi32, #tpu.memory_space<vmem>>, vector<16xi32>,
      %mul3A_241 = vector.broadcast %scan3A_32 : f32 to vector<16xf32>
      %mul3A_242 = arith.mulf %parallel_loop3A_222#2, %mul3A_241 : vector<16xf32>
      %mul3A_243 = vector.broadcast %scan3A_32 : f32 to vector<16xf32>
      %mul3A_244 = arith.mulf %parallel_loop3A_222#3, %mul3A_243 : vector<16xf32>
      %pack3A_245 = tpu.pack_subelements %mul3A_242, %mul3A_244 {pack_format = #tpu.pack_format<interleaved>, positions = array<i32: 0, 1>} : vector<16xf32>, vector<16xf32> -> vector<32xbf16>
      %bitcast3A_246 = vector.bitcast %pack3A_245 : vector<32xbf16> to vector<16xi32>
      %swap3A_247 = arith.index_cast %add3A_218 : i32 to index
      %swap3A_248 = arith.constant 16 : index
      %swap3A_249 = tpu.vector_load %arg22[%swap3A_247, %swap3A_248] {strides = array<i32>} : memref<128x32xi32, #tpu.memory_space<vmem>>, vector<16xi32>,
      tpu.vector_store %arg22[%swap3A_247, %swap3A_248], %bitcast3A_246 {strides = array<i32>} : memref<128x32xi32, #tpu.memory_space<vmem>>, vector<16xi32>,
      %mul3A_250 = vector.broadcast %scan3A_32 : f32 to vector<16xf32>
      %mul3A_251 = arith.mulf %parallel_loop3A_222#6, %mul3A_250 : vector<16xf32>
      %mul3A_252 = vector.broadcast %scan3A_32 : f32 to vector<16xf32>
      %mul3A_253 = arith.mulf %parallel_loop3A_222#7, %mul3A_252 : vector<16xf32>
      %pack3A_254 = tpu.pack_subelements %mul3A_251, %mul3A_253 {pack_format = #tpu.pack_format<interleaved>, positions = array<i32: 0, 1>} : vector<16xf32>, vector<16xf32> -> vector<32xbf16>
      %bitcast3A_255 = vector.bitcast %pack3A_254 : vector<32xbf16> to vector<16xi32>
      %swap3A_256 = arith.index_cast %add3A_218 : i32 to index
      %swap3A_257 = arith.constant 16 : index
      %swap3A_258 = tpu.vector_load %arg23[%swap3A_256, %swap3A_257] {strides = array<i32>} : memref<128x32xi32, #tpu.memory_space<vmem>>, vector<16xi32>,
      tpu.vector_store %arg23[%swap3A_256, %swap3A_257], %bitcast3A_255 {strides = array<i32>} : memref<128x32xi32, #tpu.memory_space<vmem>>, vector<16xi32>,
    }
    %scan3A_37 = arith.constant 32 : i32
    %dma_wait3A = arith.constant 0 : i32
    %dma_wait3A_38 = arith.constant 0 : i32
    %dma_wait3A_39 = tpu.memref_slice %arg3[%dma_wait3A, %dma_wait3A_38] : memref<100000x32xi32, #tpu.memory_space<hbm>> -> memref<100000x32xi32, #tpu.memory_space<hbm>>
    tpu.wait_indirect_dma semaphore(%arg28 : memref<!tpu.dma_semaphore, #tpu.memory_space<semaphore_mem>>) src(%dma_wait3A_39 : memref<100000x32xi32, #tpu.memory_space<hbm>>) dst(%arg21 : memref<128x32xi32, #tpu.memory_space<vmem>>)
    "tpu.region"() ({
      %run_scoped3A = tpu.sem_alloc : memref<!tpu.dma_semaphore, #tpu.memory_space<semaphore_mem>>
      %dma_start3A_40 = arith.constant 0 : i32
      %dma_start3A_41 = tpu.memref_slice %arg11[%mul3A_2, %dma_start3A_40] : memref<4096x32xi32, #tpu.memory_space<hbm>> -> memref<128x32xi32, #tpu.memory_space<hbm>>
      %dma_start3A_42 = arith.constant 0 : i32
      %dma_start3A_43 = tpu.memref_slice %arg11[%mul3A_2, %dma_start3A_42] : memref<4096x32xi32, #tpu.memory_space<hbm>> -> memref<128x32xi32, #tpu.memory_space<hbm>>
      tpu.enqueue_dma source(%arg21 : memref<128x32xi32, #tpu.memory_space<vmem>>) target(%dma_start3A_43 : memref<128x32xi32, #tpu.memory_space<hbm>>) target_semaphore(%run_scoped3A : memref<!tpu.dma_semaphore, #tpu.memory_space<semaphore_mem>>)
      %dma_wait3A_44 = arith.constant 0 : i32
      %dma_wait3A_45 = tpu.memref_slice %arg11[%mul3A_2, %dma_wait3A_44] : memref<4096x32xi32, #tpu.memory_space<hbm>> -> memref<128x32xi32, #tpu.memory_space<hbm>>
      %dma_wait3A_46 = arith.constant 0 : i32
      %dma_wait3A_47 = tpu.memref_slice %arg11[%mul3A_2, %dma_wait3A_46] : memref<4096x32xi32, #tpu.memory_space<hbm>> -> memref<128x32xi32, #tpu.memory_space<hbm>>
      tpu.wait_dma2 semaphore(%run_scoped3A : memref<!tpu.dma_semaphore, #tpu.memory_space<semaphore_mem>>) src(%arg21 : memref<128x32xi32, #tpu.memory_space<vmem>>) dst(%dma_wait3A_47 : memref<128x32xi32, #tpu.memory_space<hbm>>)
      tpu.yield
    }) : () -> ()
    "tpu.region"() ({
      %run_scoped3A = tpu.sem_alloc : memref<!tpu.dma_semaphore, #tpu.memory_space<semaphore_mem>>
      %dma_start3A_40 = arith.constant 0 : i32
      %dma_start3A_41 = tpu.memref_slice %arg9[%mul3A_2, %dma_start3A_40] : memref<4096x32xi32, #tpu.memory_space<hbm>> -> memref<128x32xi32, #tpu.memory_space<hbm>>
      %dma_start3A_42 = arith.constant 0 : i32
      %dma_start3A_43 = tpu.memref_slice %arg9[%mul3A_2, %dma_start3A_42] : memref<4096x32xi32, #tpu.memory_space<hbm>> -> memref<128x32xi32, #tpu.memory_space<hbm>>
      tpu.enqueue_dma source(%arg22 : memref<128x32xi32, #tpu.memory_space<vmem>>) target(%dma_start3A_43 : memref<128x32xi32, #tpu.memory_space<hbm>>) target_semaphore(%run_scoped3A : memref<!tpu.dma_semaphore, #tpu.memory_space<semaphore_mem>>)
      %dma_wait3A_44 = arith.constant 0 : i32
      %dma_wait3A_45 = tpu.memref_slice %arg9[%mul3A_2, %dma_wait3A_44] : memref<4096x32xi32, #tpu.memory_space<hbm>> -> memref<128x32xi32, #tpu.memory_space<hbm>>
      %dma_wait3A_46 = arith.constant 0 : i32
      %dma_wait3A_47 = tpu.memref_slice %arg9[%mul3A_2, %dma_wait3A_46] : memref<4096x32xi32, #tpu.memory_space<hbm>> -> memref<128x32xi32, #tpu.memory_space<hbm>>
      tpu.wait_dma2 semaphore(%run_scoped3A : memref<!tpu.dma_semaphore, #tpu.memory_space<semaphore_mem>>) src(%arg22 : memref<128x32xi32, #tpu.memory_space<vmem>>) dst(%dma_wait3A_47 : memref<128x32xi32, #tpu.memory_space<hbm>>)
      tpu.yield
    }) : () -> ()
    "tpu.region"() ({
      %run_scoped3A = tpu.sem_alloc : memref<!tpu.dma_semaphore, #tpu.memory_space<semaphore_mem>>
      %dma_start3A_40 = arith.constant 0 : i32
      %dma_start3A_41 = tpu.memref_slice %arg10[%mul3A_2, %dma_start3A_40] : memref<4096x32xi32, #tpu.memory_space<hbm>> -> memref<128x32xi32, #tpu.memory_space<hbm>>
      %dma_start3A_42 = arith.constant 0 : i32
      %dma_start3A_43 = tpu.memref_slice %arg10[%mul3A_2, %dma_start3A_42] : memref<4096x32xi32, #tpu.memory_space<hbm>> -> memref<128x32xi32, #tpu.memory_space<hbm>>
      tpu.enqueue_dma source(%arg23 : memref<128x32xi32, #tpu.memory_space<vmem>>) target(%dma_start3A_43 : memref<128x32xi32, #tpu.memory_space<hbm>>) target_semaphore(%run_scoped3A : memref<!tpu.dma_semaphore, #tpu.memory_space<semaphore_mem>>)
      %dma_wait3A_44 = arith.constant 0 : i32
      %dma_wait3A_45 = tpu.memref_slice %arg10[%mul3A_2, %dma_wait3A_44] : memref<4096x32xi32, #tpu.memory_space<hbm>> -> memref<128x32xi32, #tpu.memory_space<hbm>>
      %dma_wait3A_46 = arith.constant 0 : i32
      %dma_wait3A_47 = tpu.memref_slice %arg10[%mul3A_2, %dma_wait3A_46] : memref<4096x32xi32, #tpu.memory_space<hbm>> -> memref<128x32xi32, #tpu.memory_space<hbm>>
      tpu.wait_dma2 semaphore(%run_scoped3A : memref<!tpu.dma_semaphore, #tpu.memory_space<semaphore_mem>>) src(%arg23 : memref<128x32xi32, #tpu.memory_space<vmem>>) dst(%dma_wait3A_47 : memref<128x32xi32, #tpu.memory_space<hbm>>)
      tpu.yield
    }) : () -> ()
    return
  }
}

module attributes {stable_mosaic.version = 14 : i64} {
  func.func @_proj_body(%arg0: i32, %arg1: memref<4000x64xf32, #tpu.memory_space<vmem>>, %arg2: memref<64x64xf32, #tpu.memory_space<vmem>>, %arg3: memref<8x64xf32, #tpu.memory_space<vmem>>, %arg4: memref<64x64xf32, #tpu.memory_space<vmem>>, %arg5: memref<1x64xf32, #tpu.memory_space<vmem>>, %arg6: memref<4000x64xbf16, #tpu.memory_space<vmem>>, %arg7: memref<8x64xbf16, #tpu.memory_space<vmem>>) attributes {dimension_semantics = [#tpu.dimension_semantics<arbitrary>], iteration_bounds = array<i64: 25>, scalar_prefetch = 0 : i64, scratch_operands = 0 : i64, tpu.core_type = #tpu.core_type<tc>, window_params = [{transform_indices = @transform_0, window_bounds = array<i64: 4000, 64>}, {pipeline_mode = #tpu.pipeline_mode<synchronous>, transform_indices = @transform_1, window_bounds = array<i64: 64, 64>}, {pipeline_mode = #tpu.pipeline_mode<synchronous>, transform_indices = @transform_2, window_bounds = array<i64: 8, 64>}, {pipeline_mode = #tpu.pipeline_mode<synchronous>, transform_indices = @transform_3, window_bounds = array<i64: 64, 64>}, {pipeline_mode = #tpu.pipeline_mode<synchronous>, transform_indices = @transform_4, window_bounds = array<i64: 1, 64>}, {transform_indices = @transform_5, window_bounds = array<i64: 4000, 64>}, {pipeline_mode = #tpu.pipeline_mode<synchronous>, transform_indices = @transform_6, window_bounds = array<i64: 8, 64>}]} {
    %get3A = arith.constant 0 : index
    %get3A_0 = arith.constant 0 : index
    %get3A_1 = vector.load %arg1[%get3A, %get3A_0] : memref<4000x64xf32, #tpu.memory_space<vmem>>, vector<4000x64xf32>
    %get3A_2 = arith.constant 0 : index
    %get3A_3 = arith.constant 0 : index
    %get3A_4 = vector.load %arg2[%get3A_2, %get3A_3] : memref<64x64xf32, #tpu.memory_space<vmem>>, vector<64x64xf32>
    %dot_general3A = arith.constant dense<0.000000e+00> : vector<4000x64xf32>
    %dot_general3A_5 = tpu.matmul %get3A_1, %get3A_4, %dot_general3A {dimension_numbers = #tpu.dot_dimension_numbers<[1], [0], [0], [1], [0, 0, 1, 1], [], []>, transpose_lhs_hint = false} : vector<4000x64xf32>, vector<64x64xf32>, vector<4000x64xf32> -> vector<4000x64xf32>
    %convert_element_type3A = arith.truncf %dot_general3A_5 : vector<4000x64xf32> to vector<4000x64xbf16>
    %swap3A = arith.constant 0 : index
    %swap3A_6 = arith.constant 0 : index
    %swap3A_7 = vector.load %arg6[%swap3A, %swap3A_6] : memref<4000x64xbf16, #tpu.memory_space<vmem>>, vector<4000x64xbf16>
    tpu.vector_store %arg6[%swap3A, %swap3A_6], %convert_element_type3A {strides = array<i32>} : memref<4000x64xbf16, #tpu.memory_space<vmem>>, vector<4000x64xbf16>,
    %get3A_8 = arith.constant 0 : index
    %get3A_9 = arith.constant 0 : index
    %get3A_10 = vector.load %arg3[%get3A_8, %get3A_9] : memref<8x64xf32, #tpu.memory_space<vmem>>, vector<8x64xf32>
    %get3A_11 = arith.constant 0 : index
    %get3A_12 = arith.constant 0 : index
    %get3A_13 = vector.load %arg4[%get3A_11, %get3A_12] : memref<64x64xf32, #tpu.memory_space<vmem>>, vector<64x64xf32>
    %dot_general3A_14 = arith.constant dense<0.000000e+00> : vector<8x64xf32>
    %dot_general3A_15 = tpu.matmul %get3A_10, %get3A_13, %dot_general3A_14 {dimension_numbers = #tpu.dot_dimension_numbers<[1], [0], [0], [1], [0, 0, 1, 1], [], []>, transpose_lhs_hint = false} : vector<8x64xf32>, vector<64x64xf32>, vector<8x64xf32> -> vector<8x64xf32>
    %get3A_16 = arith.constant 0 : index
    %get3A_17 = arith.constant 0 : index
    %get3A_18 = vector.load %arg5[%get3A_16, %get3A_17] : memref<1x64xf32, #tpu.memory_space<vmem>>, vector<1x64xf32>
    %add3A = vector.broadcast %get3A_18 : vector<1x64xf32> to vector<8x64xf32>
    %add3A_19 = arith.addf %dot_general3A_15, %add3A : vector<8x64xf32>
    %convert_element_type3A_20 = arith.truncf %add3A_19 : vector<8x64xf32> to vector<8x64xbf16>
    %swap3A_21 = arith.constant 0 : index
    %swap3A_22 = arith.constant 0 : index
    %swap3A_23 = vector.load %arg7[%swap3A_21, %swap3A_22] : memref<8x64xbf16, #tpu.memory_space<vmem>>, vector<8x64xbf16>
    tpu.vector_store %arg7[%swap3A_21, %swap3A_22], %convert_element_type3A_20 {strides = array<i32>} : memref<8x64xbf16, #tpu.memory_space<vmem>>, vector<8x64xbf16>,
    return
  }
  func.func @transform_0(%arg0: i32) -> (i32, i32) {
    %c0_i32 = arith.constant 0 : i32
    %c0_i32_0 = arith.constant 0 : i32
    return %arg0, %c0_i32 : i32, i32
  }
  func.func @transform_1(%arg0: i32) -> (i32, i32) {
    %c0_i32 = arith.constant 0 : i32
    %c0_i32_0 = arith.constant 0 : i32
    %c0_i32_1 = arith.constant 0 : i32
    return %c0_i32, %c0_i32_0 : i32, i32
  }
  func.func @transform_2(%arg0: i32) -> (i32, i32) {
    %c0_i32 = arith.constant 0 : i32
    %c0_i32_0 = arith.constant 0 : i32
    %c0_i32_1 = arith.constant 0 : i32
    return %c0_i32, %c0_i32_0 : i32, i32
  }
  func.func @transform_3(%arg0: i32) -> (i32, i32) {
    %c0_i32 = arith.constant 0 : i32
    %c0_i32_0 = arith.constant 0 : i32
    %c0_i32_1 = arith.constant 0 : i32
    return %c0_i32, %c0_i32_0 : i32, i32
  }
  func.func @transform_4(%arg0: i32) -> (i32, i32) {
    %c0_i32 = arith.constant 0 : i32
    %c0_i32_0 = arith.constant 0 : i32
    %c0_i32_1 = arith.constant 0 : i32
    return %c0_i32, %c0_i32_0 : i32, i32
  }
  func.func @transform_5(%arg0: i32) -> (i32, i32) {
    %c0_i32 = arith.constant 0 : i32
    %c0_i32_0 = arith.constant 0 : i32
    return %arg0, %c0_i32 : i32, i32
  }
  func.func @transform_6(%arg0: i32) -> (i32, i32) {
    %c0_i32 = arith.constant 0 : i32
    %c0_i32_0 = arith.constant 0 : i32
    %c0_i32_1 = arith.constant 0 : i32
    return %c0_i32, %c0_i32_0 : i32, i32
  }
}

module attributes {stable_mosaic.version = 14 : i64} {
  func.func @_combine_body(%arg0: memref<4096x64xbf16, #tpu.memory_space<vmem>>, %arg1: memref<4096x64xbf16, #tpu.memory_space<vmem>>, %arg2: memref<4096x64xbf16, #tpu.memory_space<vmem>>, %arg3: memref<64x64xf32, #tpu.memory_space<vmem>>, %arg4: memref<1x64xf32, #tpu.memory_space<vmem>>, %arg5: memref<64x64xf32, #tpu.memory_space<vmem>>, %arg6: memref<64x64xf32, #tpu.memory_space<vmem>>, %arg7: memref<1x64xf32, #tpu.memory_space<vmem>>, %arg8: memref<4096x64xf32, #tpu.memory_space<vmem>>) attributes {dimension_semantics = [], scalar_prefetch = 0 : i64, scratch_operands = 0 : i64, tpu.core_type = #tpu.core_type<tc>} {
    %get3A = arith.constant 0 : index
    %get3A_0 = arith.constant 0 : index
    %get3A_1 = vector.load %arg2[%get3A, %get3A_0] : memref<4096x64xbf16, #tpu.memory_space<vmem>>, vector<4096x64xbf16>
    %convert_element_type3A = arith.extf %get3A_1 : vector<4096x64xbf16> to vector<4096x64xf32>
    %get3A_2 = arith.constant 0 : index
    %get3A_3 = arith.constant 0 : index
    %get3A_4 = vector.load %arg1[%get3A_2, %get3A_3] : memref<4096x64xbf16, #tpu.memory_space<vmem>>, vector<4096x64xbf16>
    %convert_element_type3A_5 = arith.extf %get3A_4 : vector<4096x64xbf16> to vector<4096x64xf32>
    %get3A_6 = arith.constant 0 : index
    %get3A_7 = arith.constant 0 : index
    %get3A_8 = vector.load %arg0[%get3A_6, %get3A_7] : memref<4096x64xbf16, #tpu.memory_space<vmem>>, vector<4096x64xbf16>
    %convert_element_type3A_9 = arith.extf %get3A_8 : vector<4096x64xbf16> to vector<4096x64xf32>
    %get3A_10 = arith.constant 0 : index
    %get3A_11 = arith.constant 0 : index
    %get3A_12 = vector.load %arg3[%get3A_10, %get3A_11] : memref<64x64xf32, #tpu.memory_space<vmem>>, vector<64x64xf32>
    %dot_general3A = arith.constant dense<0.000000e+00> : vector<4096x64xf32>
    %dot_general3A_13 = tpu.matmul %convert_element_type3A, %get3A_12, %dot_general3A {dimension_numbers = #tpu.dot_dimension_numbers<[1], [0], [0], [1], [0, 0, 1, 1], [], []>, transpose_lhs_hint = false} : vector<4096x64xf32>, vector<64x64xf32>, vector<4096x64xf32> -> vector<4096x64xf32>
    %get3A_14 = arith.constant 0 : index
    %get3A_15 = arith.constant 0 : index
    %get3A_16 = vector.load %arg4[%get3A_14, %get3A_15] : memref<1x64xf32, #tpu.memory_space<vmem>>, vector<1x64xf32>
    %add3A = vector.broadcast %get3A_16 : vector<1x64xf32> to vector<4096x64xf32>
    %add3A_17 = arith.addf %dot_general3A_13, %add3A : vector<4096x64xf32>
    %max3A = arith.constant 0.000000e+00 : f32
    %max3A_18 = vector.broadcast %max3A : f32 to vector<4096x64xf32>
    %max3A_19 = arith.maximumf %add3A_17, %max3A_18 : vector<4096x64xf32>
    %add3A_20 = arith.addf %convert_element_type3A_5, %max3A_19 : vector<4096x64xf32>
    %mul3A = arith.constant 5.000000e-01 : f32
    %mul3A_21 = vector.broadcast %mul3A : f32 to vector<4096x64xf32>
    %mul3A_22 = arith.mulf %mul3A_21, %add3A_20 : vector<4096x64xf32>
    %get3A_23 = arith.constant 0 : index
    %get3A_24 = arith.constant 0 : index
    %get3A_25 = vector.load %arg5[%get3A_23, %get3A_24] : memref<64x64xf32, #tpu.memory_space<vmem>>, vector<64x64xf32>
    %dot_general3A_26 = arith.constant dense<0.000000e+00> : vector<4096x64xf32>
    %dot_general3A_27 = tpu.matmul %convert_element_type3A_9, %get3A_25, %dot_general3A_26 {dimension_numbers = #tpu.dot_dimension_numbers<[1], [0], [0], [1], [0, 0, 1, 1], [], []>, transpose_lhs_hint = false} : vector<4096x64xf32>, vector<64x64xf32>, vector<4096x64xf32> -> vector<4096x64xf32>
    %get3A_28 = arith.constant 0 : index
    %get3A_29 = arith.constant 0 : index
    %get3A_30 = vector.load %arg6[%get3A_28, %get3A_29] : memref<64x64xf32, #tpu.memory_space<vmem>>, vector<64x64xf32>
    %dot_general3A_31 = arith.constant dense<0.000000e+00> : vector<4096x64xf32>
    %dot_general3A_32 = tpu.matmul %mul3A_22, %get3A_30, %dot_general3A_31 {dimension_numbers = #tpu.dot_dimension_numbers<[1], [0], [0], [1], [0, 0, 1, 1], [], []>, transpose_lhs_hint = false} : vector<4096x64xf32>, vector<64x64xf32>, vector<4096x64xf32> -> vector<4096x64xf32>
    %add3A_33 = arith.addf %dot_general3A_27, %dot_general3A_32 : vector<4096x64xf32>
    %get3A_34 = arith.constant 0 : index
    %get3A_35 = arith.constant 0 : index
    %get3A_36 = vector.load %arg7[%get3A_34, %get3A_35] : memref<1x64xf32, #tpu.memory_space<vmem>>, vector<1x64xf32>
    %add3A_37 = vector.broadcast %get3A_36 : vector<1x64xf32> to vector<4096x64xf32>
    %add3A_38 = arith.addf %add3A_33, %add3A_37 : vector<4096x64xf32>
    %max3A_39 = arith.constant 0.000000e+00 : f32
    %max3A_40 = vector.broadcast %max3A_39 : f32 to vector<4096x64xf32>
    %max3A_41 = arith.maximumf %add3A_38, %max3A_40 : vector<4096x64xf32>
    %swap3A = arith.constant 0 : index
    %swap3A_42 = arith.constant 0 : index
    %swap3A_43 = vector.load %arg8[%swap3A, %swap3A_42] : memref<4096x64xf32, #tpu.memory_space<vmem>>, vector<4096x64xf32>
    tpu.vector_store %arg8[%swap3A, %swap3A_42], %max3A_41 {strides = array<i32>} : memref<4096x64xf32, #tpu.memory_space<vmem>>, vector<4096x64xf32>,
    return
  }
}

</mosaic_0001>

<sc_bundles>
// kernel: kernel.5.cloned.1.call-start
scs
__scs_entry_jumppad:
0x0: {  	(pc) =	sbr.rel $0x88, $3  }
0x1: {  	(tag) =	ssettag $0x0;
	lr =	simm.s32 $0x1  }
0x2: {  	[smem:$0x3F94] =	sst lr;
	_ =	strace $0xD0000000  }
0x3: {  	_ = 	snop  }
0x4: {  	_ = 	snop  }
0x5: {  	_ = 	snop  }
0x6: {  	_ = 	snop  }
0x7: {  	_ = 	snop  }
__scs_overlays_trampoline_lowered:
0x8: {  	[smem:$0x3FA3] =	sst s0  }
0x9: {  	[smem:$0x3FA4] =	sst s1  }
0xa: {  	[smem:$0x3FA5] =	sst s2  }
0xb: {  	[smem:$0x3FA6] =	sst s3  }
0xc: {  	[smem:$0x3FA7] =	sst s4  }
0xd: {  	[smem:$0x3FA8] =	sst s5  }
0xe: {  	[smem:$0x3FA9] =	sst s6  }
0xf: {  	[smem:$0x3FAA] =	sst s7  }
0x10: {  	[smem:$0x3FAB] =	sst s8  }
0x11: {  	[smem:$0x3FAC] =	sst s9;
	s0 =	simm.s32 @!p0 $0x0  }
0x12: {  	s1 =	sld [smem:$0x3F92];
	s0 =	simm.s32 @p0 $0x1  }
0x13: {  	[smem:$0x3FAD] =	sst s0;
	s0 =	simm.s32 @!p1 $0x0  }
0x14: {  	s2 =	sld [smem:$0x3F91];
	s0 =	simm.s32 @p1 $0x1  }
0x15: {  	[smem:$0x3FAE] =	sst s0;
	s0 =	simm.s32 @!p2 $0x0  }
0x16: {  	s3 =	sld [smem:$0x3FDB];
	s0 =	simm.s32 @p2 $0x1  }
0x17: {  	s4 =	simm.s32 $0x1BF5;
	[smem:$0x3FB0] =	sst s0  }
0x18: {  	s0 =	sld [smem:$0x3F93];
	_ =	swait.ge [sflag:s4], $0x0  }
0x19: {  	s7 =	sld [smem:$0x3F94]  }
0x1a: {  	s8 =	sadd.s32 $0xFFFFE003, lr  }
0x1b: {  	s9 =	sadd.s32 $0xFFFFFEF7, lr;
	s5 =	simm.s32 $0xFFFFFFFF;
	p2 =	slt.u32 s8, $0xFFFFF086  }
0x1c: {  	p1 =	slt.u32 s9, $0xF7A;
	s5 =	simm.s32 @!p2 $0x0  }
0x1d: {  	s5 =	simm.s32 @p1 $0x1;
	p0 =	seq.s32 s7, s2  }
0x1e: {  	s7 =	smul.u32 @!p0 $0xF7A, s2;
	p2 =	seq.s32 @!p0 s5, $0x0  }
0x1f: {  	s9 =	smul.u32 $0xF7A, s1;
	s8 =	simm.s32 @!p0 $0x1BF5;
	p2 =	por !p2, p0  }
0x20: {  	[sflag:s8] =	ssyncset.s32 @!p0 $0xFFFFF086;
	s6 =	sadd.s32 @!p0 s3, s7;
	s7 =	simm.s32 @!p0 $0x108  }
0x21: {  	s3 =	sadd.s32 s3, s9;
	s6 =	sadd.s32 @!p0 $0x88, s6;
	s7 =	simm.s32 @p2 $0x1082  }
0x22: {  	[simem:s7], [sflag:s8] =	dma.local @!p0 [hbm:s6], $0xF7A  }
0x23: {  	s9 =	sor.u32 $0xD0000000, s2;
	s6 =	simm.s32 $0x108;
	_ =	swait.ge @!p0 [sflag:s8], $0x0  }
0x24: {  	s3 =	sadd.s32 $0x88, s3;
	s6 =	simm.s32 @!p1 $0x1082;
	[sflag:s4] =	ssyncset.s32 $0xFFFFF086  }
0x25: {  	[simem:s6], [sflag:s4] =	dma.local [hbm:s3], $0xF7A  }
0x26: {  	[smem:$0x3F94] =	sst s1;
	(tag) =	ssettag s2;
	_ =	strace s9  }
0x27: {  	s1 =	sld [smem:$0x3FA4]  }
0x28: {  	s2 =	sld [smem:$0x3FA5]  }
0x29: {  	s4 =	sld [smem:$0x3FA7]  }
0x2a: {  	p0 =	seq.s32 s5, $0x0;
	s5 =	sld [smem:$0x3FA8]  }
0x2b: {  	s6 =	sld [smem:$0x3FA9]  }
0x2c: {  	s7 =	sld [smem:$0x3FAA]  }
0x2d: {  	s3 =	simm.s32 $0x108;
	s8 =	sld [smem:$0x3FAB]  }
0x2e: {  	s3 =	simm.s32 @!p0 $0x1082;
	s9 =	sld [smem:$0x3FAC]  }
0x2f: {  	lr =	sadd.s32 s0, s3;
	s0 =	sld [smem:$0x3FA3]  }
0x30: {  	s3 =	sld [smem:$0x3FA6]  }
0x31: {  	[smem:$0x3FAF] =	sst s10  }
0x32: {  	s10 =	sld [smem:$0x3FAD];
	_ =	sdelay $0x3  }
0x33: {  	p0 =	seq.s32 s10, $0x1;
	s10 =	sld [smem:$0x3FAF];
	_ =	sdelay $0x3  }
0x34: {  	[smem:$0x3FAF] =	sst s10  }
0x35: {  	s10 =	sld [smem:$0x3FAE];
	_ =	sdelay $0x3  }
0x36: {  	p1 =	seq.s32 s10, $0x1;
	s10 =	sld [smem:$0x3FAF];
	_ =	sdelay $0x3  }
0x37: {  	[smem:$0x3FAF] =	sst s10  }
0x38: {  	s10 =	sld [smem:$0x3FB0]  }
0x39: {  	_ = 	snop;
	(pc) =	sbr.ind lr, $3  }
0x3a: {  	_ = 	snop  }
0x3b: {  	_ = 	snop  }
0x3c: {  	p2 =	seq.s32 s10, $0x1;
	s10 =	sld [smem:$0x3FAF]  }
0x3d: {  	_ =	shalt  }
0x3e: {  	_ =	shalt  }
0x3f: {  	_ =	shalt  }
0x40: {  	_ =	shalt  }
0x41: {  	_ =	shalt  }
0x42: {  	_ =	shalt  }
0x43: {  	_ =	shalt  }
0x44: {  	_ =	shalt  }
0x45: {  	_ =	shalt  }
0x46: {  	_ =	shalt  }
0x47: {  	_ =	shalt  }
0x48: {  	_ =	shalt  }
0x49: {  	_ =	shalt  }
0x4a: {  	_ =	shalt  }
0x4b: {  	_ =	shalt  }
0x4c: {  	_ =	shalt  }
0x4d: {  	_ =	shalt  }
0x4e: {  	_ =	shalt  }
0x4f: {  	_ =	shalt  }
0x50: {  	_ =	shalt  }
0x51: {  	_ =	shalt  }
0x52: {  	_ =	shalt  }
0x53: {  	_ =	shalt  }
0x54: {  	_ =	shalt  }
0x55: {  	_ =	shalt  }
0x56: {  	_ =	shalt  }
0x57: {  	_ =	shalt  }
0x58: {  	_ =	shalt  }
0x59: {  	_ =	shalt  }
0x5a: {  	_ =	shalt  }
0x5b: {  	_ =	shalt  }
0x5c: {  	_ =	shalt  }
0x5d: {  	_ =	shalt  }
0x5e: {  	_ =	shalt  }
0x5f: {  	_ =	shalt  }
0x60: {  	_ =	shalt  }
0x61: {  	_ =	shalt  }
0x62: {  	_ =	shalt  }
0x63: {  	_ =	shalt  }
0x64: {  	_ =	shalt  }
0x65: {  	_ =	shalt  }
0x66: {  	_ =	shalt  }
0x67: {  	_ =	shalt  }
0x68: {  	_ =	shalt  }
0x69: {  	_ =	shalt  }
0x6a: {  	_ =	shalt  }
0x6b: {  	_ =	shalt  }
0x6c: {  	_ =	shalt  }
0x6d: {  	_ =	shalt  }
0x6e: {  	_ =	shalt  }
0x6f: {  	_ =	shalt  }
0x70: {  	_ =	shalt  }
0x71: {  	_ =	shalt  }
0x72: {  	_ =	shalt  }
0x73: {  	_ =	shalt  }
0x74: {  	_ =	shalt  }
0x75: {  	_ =	shalt  }
0x76: {  	_ =	shalt  }
0x77: {  	_ =	shalt  }
0x78: {  	_ =	shalt  }
0x79: {  	_ =	shalt  }
0x7a: {  	_ =	shalt  }
0x7b: {  	_ =	shalt  }
0x7c: {  	_ =	shalt  }
0x7d: {  	_ =	shalt  }
0x7e: {  	_ =	shalt  }
0x7f: {  	_ =	shalt  }
0x80: {  	_ =	shalt  }
0x81: {  	_ =	shalt  }
0x82: {  	_ =	shalt  }
0x83: {  	_ =	shalt  }
0x84: {  	_ =	shalt  }
0x85: {  	_ =	shalt  }
0x86: {  	_ =	shalt  }
0x87: {  	_ =	shalt  }
.Lfunc_end0:
.L_simem_size_0:
called_computation_lowered:
.L_overlay_start_0:
0x88: {  	s2 =	sld [smem:$0x3FD9]  }
0x89: {  	s3 =	sld [smem:$0x3FFE];
	_ =	sdelay $0x1  }
0x8a: {  	s1 =	srdreg.scid  }
0x8b: {  	s0 =	sand.u32 $0x1, s1  }
0x8c: {  	s17 =	sshll.u32 s0, $0xA;
	s2 =	sadd.s32 s3, s2  }
0x8d: {  	s2 =	sadd.s32 s2, s17  }
0x8e: {  	[smem:$0x3FBB] =	sst s2  }
0x8f: {  	_ = 	snop  }
0x90: {  	s2 =	sld [smem:$0x3FC9]  }
0x91: {  	s18 =	sld [smem:$0x3FD0];
	(tm) =	ssettm $0x1  }
0x92: {  	s4 =	sld [smem:$0x3FFB];
	_ =	sdelay $0x3  }
0x93: {  	_ =	strace s4  }
0x94: {  	s4 =	sld [smem:$0x3FFC];
	_ =	sdelay $0x3  }
0x95: {  	_ =	strace s4  }
0x96: {  	s4 =	sld [smem:$0x3FFD];
	_ =	sdelay $0x3  }
0x97: {  	_ =	strace s4  }
0x98: {  	_ =	strace $0x8FFFFFFF  }
0x99: {  	s19 =	sld [smem:$0x3FDB];
	_ =	sdelay $0x1  }
0x9a: {  	s5 =	simm.s32 $_scs_section_size  }
0x9b: {  	s6 =	simm.s32 $_size__tile_overlayer_lowered;
	s7 =	simm.s32 $_tile_overlayer_lowered  }
0x9c: {  	s22 =	simm.s32 $0x1BFF;
	s21 =	sshll.u32 s7, $0x1;
	s4 =	sadd.s32 s5, s19  }
0x9d: {  	s8 =	simm.s32 $0x0;
	s20 =	sshll.u32 s6, $0x1;
	s6 =	sadd.s32 s21, s4  }
0x9e: {  	[timem:s8], [sflag:s22] =	dma.local [hbm:s6], s20  }
0x9f: {  	_ =	swait.ge [sflag:s22], s20  }
0xa0: {  	s5 =	ssub.s32 $0x0, s20;
	[sflag:s22] =	ssyncset.done $0x0  }
0xa1: {  	[sflag:s22] =	ssyncadd.s32 s5;
	_ =	sdelay $0x1  }
0xa2: {  	s23 =	simm.s32 $0x1B8B  }
0xa3: {  	_ =	swait.ge [sflag:s23], $0x1  }
0xa4: {  	[sflag:s23] =	ssyncset.done $0x0  }
0xa5: {  	s25 =	simm.s32 $0x1B8E;
	s24 =	sld [smem:$0x3FFE];
	[sflag:s23] =	ssyncadd.s32 $0xFFFFFFFF  }
0xa6: {  	s26 =	simm.s32 $execute0_lowered;
	[smem:$0x3FD2] =	sst s25  }
0xa7: {  	s6 =	sshll.u32 s26, $0x1;
	_ =	strace $0x80000046;
	[dreg:$0x1] =	wrdreg $0xFFFFFFFF  }
0xa8: {  	s28 =	simm.s32 $_size_execute0_lowered;
	s4 =	sadd.s32 s4, s6;
	[dreg:$0x0] =	wrdreg $0x0  }
0xa9: {  	s6 =	sshll.u32 s28, $0x1;
	[dreg:$0x2] =	wrdreg s4  }
0xaa: {  	[dreg:$0x3] =	wrdreg s6  }
0xab: {  	[dreg:$0x4] =	wrdreg $0xC0  }
0xac: {  	_ =	task [dreg:s8], $0x5FFFF  }
0xad: {  	[dreg:$0x1] =	wrdreg $0xFFFFFFFF  }
0xae: {  	[dreg:$0x0] =	wrdreg $0x60  }
0xaf: {  	[dreg:$0x2] =	wrdreg s24  }
0xb0: {  	[dreg:$0x3] =	wrdreg s18  }
0xb1: {  	[dreg:$0x4] =	wrdreg s2  }
0xb2: {  	[dreg:$0x5] =	wrdreg $0x9  }
0xb3: {  	_ =	task.clear_ibuf [dreg:s8], $0x6FFFF;
	_ =	strace $0x90000046  }
0xb4: {  	s29 =	simm.s32 $0x9;
	_ =	strace $0x80000048  }
0xb5: {  	_ =	swait.ge [sflag:s29], $0x1  }
0xb6: {  	[sflag:s29] =	ssyncadd.s32 $0xFFFFFFFF  }
0xb7: {  	_ =	strace $0x90000048  }
0xb8: {  	_ =	sfence  }
0xb9: {  	s30 =	sld [smem:$0x0];
	_ =	sdelay $0x2  }
0xba: {  	s31 =	sshll.u32 s1, $0xD;
	s1 =	sshrl.u32 s1, $0x2  }
0xbb: {  	s3 =	sand.u32 $0x4000, s31;
	s1 =	sadd.s32 s1, s30  }
0xbc: {  	s0 =	sor.u32 s3, s0;
	s1 =	sshll.u32 s1, $0x11  }
0xbd: {  	s0 =	sor.u32 s1, s0  }
0xbe: {  	s0 =	sadd.s32 $0x8F2B, s0  }
0xbf: {  	[sflag:s0] =	ssyncadd.remote.s32 $0x1  }
0xc0: {  	_ =	sfence.sel $0xFFFF  }
0xc1: {  	[dreg:$0x0] =	wrdreg $0xFFFFFFFF;
	(pc) =	sbr.abs _section_cstart, $3  }
0xc2: {  	[dreg:$0x1] =	wrdreg $0xFFFFFFFF  }
0xc3: {  	_ =	task.clear_ibuf [dreg:s8], $0x2FFFF;
	_ =	strace $0x9FFFFFFF  }
0xc4: {  	(tm) =	ssettm $0x7FFFFFFF  }
0xc5: {  	_ =	shalt  }
tec
execute0_lowered:
.L_overlay_start_1:
0x0: {  	(tag) =	ssettag $0x1  }
0x1: {  	s0 =	rddreg [dreg:$0x0]  }
0x2: {  	s1 =	rddreg [dreg:$0x1]  }
0x3: {  	s5 =	rddreg [dreg:$0x2]  }
0x4: {  	s2 =	simm.s32 $0x0;
	s3 =	srdreg.scid;
	s4 =	stileid.u32  }
0x5: {  	s14 =	simm.s32 $0x6;
	s18 =	simm.s32 $0x5480;
	s21 =	simm.s32 $0x70  }
0x6: {  	s28 =	simm.s32 $0x3;
	s29 =	simm.s32 $0x2;
	s30 =	simm.s32 $0x4  }
0x7: {  	s31 =	simm.s32 $0x5;
	s16 =	simm.s32 $0x0;
	[smem:$0x7FF] =	sst s2  }
0x8: {  	s6 =	sand.u32 $0x1, s3;
	s22 =	sshll.u32 s4, $0x1;
	s3 =	sadd.s32 $0x188000, s0  }
0x9: {  	s4 =	sadd.s32 $0x1800, s0;
	s9 =	sadd.s32 $0x1600, s0;
	_ =	strace $0x80000047  }
0xa: {  	s7 =	sor.u32 s6, s22;
	[dreg:$0x4] =	wrdreg s9;
	s6 =	ssub.s32 $0x2, s6  }
0xb: {  	s8 =	smul.u32 $0x380, s7;
	s24 =	sshrl.u32 s6, $0x1;
	s25 =	sshll.u32 s7, $0x4  }
0xc: {  	s23 =	sshll.u32 s7, $0x9;
	s13 =	ssub.s32 s6, s24;
	s9 =	sadd.s32 s5, s25  }
0xd: {  	s6 =	simm.s32 $0x8D80;
	s24 =	simm.s32 $0x6380;
	s25 =	simm.s32 $0x7F80  }
0xe: {  	s10 =	sadd.s32 s8, s0;
	s0 =	sadd.s32 s23, s0;
	s1 =	sadd.s32 s1, s8  }
0xf: {  	s13 =	smax.u32 s13, $0x1;
	[dreg:$0x5] =	wrdreg s1;
	s26 =	sadd.s32 $0x63400, s10  }
0x10: {  	v0 =	vlaneseq.u32;
	s8 =	sadd.s32 $0x6A400, s10;
	s10 =	sadd.s32 $0x71400, s0;
	s11 =	sadd.s32 $0x75400, s0  }
0x11: {  	v1 =	vor.u32 $0x10, v0;
	s12 =	sadd.s32 $0x79400, s0;
	[dreg:$0x6] =	wrdreg s26;
	s26 =	simm.s32 $0x1  }
.LBB2_1:
0x12: {  	s0 =	rddreg [dreg:$0x5]  }
0x13: {  	[tilespmem:s2], [sflag:$0x6] =	stream.linear.gather [hbm4b:s0+s2], $0x1C00, $0x38;
	[tilespmem:$0xBD80] =	vst v63  }
0x14: {  	_ =	swait.ge [sflag:s14], $0x1C00  }
0x15: {  	[sflag:s14] =	ssyncset.done $0x0  }
0x16: {  	s1 =	simm.s32 $0x3800;
	s15 =	rddreg [dreg:$0x6];
	[sflag:s14] =	ssyncadd.s32 $0xFFFFE400  }
0x17: {  	[tilespmem:s1], [sflag:$0x6] =	stream.linear.gather [hbm4b:s15+s2], $0x1C00, $0x38;
	[tilespmem:$0xBD80] =	vst v63  }
0x18: {  	_ =	swait.ge [sflag:s14], $0x1C00  }
0x19: {  	[sflag:s14] =	ssyncset.done $0x0  }
0x1a: {  	s17 =	simm.s32 $0x1C00;
	[sflag:s14] =	ssyncadd.s32 $0xFFFFE400  }
0x1b: {  	[tilespmem:s17], [sflag:$0x6] =	stream.linear.gather [hbm4b:s8+s2], $0x1C00, $0x38;
	[tilespmem:$0xBD80] =	vst v63  }
0x1c: {  	_ =	swait.ge [sflag:s14], $0x1C00  }
0x1d: {  	[sflag:s14] =	ssyncset.done $0x0  }
0x1e: {  	s5 =	simm.s32 $0x5400;
	[sflag:s14] =	ssyncadd.s32 $0xFFFFE400  }
0x1f: {  	[tilespmem:s5], [sflag:$0x6] =	stream.linear.gather [hbm4b:s9+s2], $0x80, $0x38;
	[tilespmem:$0xBD80] =	vst v63  }
0x20: {  	_ =	swait.ge [sflag:s14], $0x80  }
0x21: {  	[sflag:s14] =	ssyncset.done $0x0  }
0x22: {  	s19 =	rddreg [dreg:$0x4];
	[sflag:s14] =	ssyncadd.s32 $0xFFFFFF80  }
0x23: {  	[tilespmem:s18], [sflag:$0x6] =	stream.linear.gather [hbm4b:s19+s2], $0x100, $0x38;
	[tilespmem:$0xBD80] =	vst v63  }
0x24: {  	_ =	swait.ge [sflag:s14], $0x100  }
0x25: {  	[sflag:s14] =	ssyncset.done $0x0  }
0x26: {  	s20 =	simm.s32 $0x80;
	[sflag:s14] =	ssyncadd.s32 $0xFFFFFF00  }
0x27: {  	[tilespmem:s6], [sflag:$0x5] =	stream.indirect.gather [hbm4b:s4+s20], $0x20, s5, s20, $0xb8;
	[tilespmem:$0xBD80] =	vst v63  }
0x28: {  	s22 =	simm.s32 $0x5580  }
0x29: {  	[tilespmem:s22], [sflag:$0x1] =	stream.indirect.gather [hbm4b:s3+s21], $0x20, s2, s21, $0xb8;
	[tilespmem:$0xBD80] =	vst v63  }
0x2a: {  	s23 =	simm.s32 $0x7180;
	s19 =	simm.s32 $0x0  }
0x2b: {  	[tilespmem:s23], [sflag:$0x3] =	stream.indirect.gather [hbm4b:s4+s21], $0x20, s1, s21, $0xb8;
	[tilespmem:$0xBD80] =	vst v63  }
.LBB2_2:
0x2c: {  	s22 =	sshllo.u32 s19, $0x1  }
0x2d: {  	s23 =	smul.u32 $0x70, s22  }
0x2e: {  	s1 =	smul.u32 $0x380, s19  }
0x2f: {  	[tilespmem:s24], [sflag:$0x2] =	stream.indirect.gather [hbm4b:s3+s21], $0x20, s23, s21, $0xb8;
	[tilespmem:$0xBD80] =	vst v63  }
0x30: {  	s6 =	sshra.s32 s1, $0x2;
	s0 =	sadd.s32 $0x3800, s23  }
0x31: {  	[tilespmem:s25], [sflag:$0x4] =	stream.indirect.gather [hbm4b:s4+s21], $0x20, s0, s21, $0xb8;
	[tilespmem:$0xBD80] =	vst v63  }
0x32: {  	s0 =	sadd.s32 $0x1C00, s6;
	_ =	swait.ge [sflag:s26], $0xE00  }
0x33: {  	v2 =	vmov s0;
	[sflag:s26] =	ssyncset.done $0x0  }
0x34: {  	[sflag:s26] =	ssyncadd.s32 $0xFFFFF200  }
0x35: {  	_ =	swait.ge [sflag:s28], $0xE00  }
0x36: {  	s7 =	simm.s32 $0x0;
	[sflag:s28] =	ssyncset.done $0x0  }
0x37: {  	s15 =	sand.u32 $0x30, s7;
	[sflag:s28] =	ssyncadd.s32 $0xFFFFF200  }
0x38: {  	v3 =	vld.idx.msk [tilespmem:v2+s15+$0x0 ss:$0x1], $0xffff  }
0x39: {  	s17 =	sand.u32 $0xF, s7  }
0x3a: {  	s1 =	sadd.s32 $0x1, s17  }
0x3b: {  	s5 =	simm.s32 $0x55A0;
	v4 =	vmov s1  }
0x3c: {  	s20 =	simm.s32 $0x71A0;
	v4 =	vadd.s32 $0x10, v4;
	s0 =	sand.u32 $0xE, s7;
	v14 =	vld [tilespmem:s5+$0xFFFFFFF0]  }
0x3d: {  	v6 =	vmov s0;
	v5 =	vld [tilespmem:s20+$0xFFFFFFE0];
	v4 =	vperm.xlane v3, v4  }
0x3e: {  	v7 =	vld [tilespmem:s20+$0xFFFFFFF0];
	v3 =	vperm.xlane v3, v6  }
0x3f: {  	v9 =	vld [tilespmem:s20+$0x10];
	v8 =	vadd.s32 v0, v4  }
0x40: {  	v12 =	vld [tilespmem:s5+$0x10];
	v10 =	vadd.s32 v1, v3  }
0x41: {  	v6 =	vld [tilespmem:s20+$0x0];
	v11 =	vadd.s32 v0, v3  }
0x42: {  	s6 =	simm.s32 $0x2;
	v15 =	vld [tilespmem:s5+$0x0];
	v13 =	vunpack.i.l.bf16.f32 v14;
	v17 =	vunpack.i.u.bf16.f32 v5;
	v4 =	vadd.s32 v1, v4  }
0x43: {  	v16 =	vld [tilespmem:s5+$0xFFFFFFE0];
	v5 =	vunpack.i.l.bf16.f32 v5;
	v18 =	vunpack.i.u.bf16.f32 v7;
	s20 =	sand.u32 $0xF, s6;
	v3 =	vimm.f32 $0.0e+00  }
0x44: {  	v7 =	vunpack.i.l.bf16.f32 v7;
	v14 =	vunpack.i.u.bf16.f32 v14;
	s17 =	sadd.s32 $0x1, s20;
	v17 =	vadd.f32 v17, v3;
	v8 =	vld.idx.msk [tilespmem:v8+s18+$0x0], $0xffff  }
0x45: {  	v25 =	vmov s17;
	v18 =	vadd.f32 v18, v3;
	v5 =	vadd.f32 v5, v3;
	v21 =	vld.idx.msk [tilespmem:v10+s18+$0x0], $0xffff  }
0x46: {  	v7 =	vadd.f32 v7, v3;
	v10 =	vunpack.i.u.bf16.f32 v6;
	v11 =	vld.idx.msk [tilespmem:v11+s18+$0x0], $0xffff;
	v6 =	vunpack.i.l.bf16.f32 v6  }
0x47: {  	v19 =	vld.idx.msk [tilespmem:v4+s18+$0x0], $0xffff;
	v4 =	vunpack.i.u.bf16.f32 v9;
	v10 =	vadd.f32 v10, v17;
	v17 =	vunpack.i.l.bf16.f32 v9  }
0x48: {  	v5 =	vadd.f32 v6, v5;
	v9 =	vunpack.i.l.bf16.f32 v12;
	v12 =	vunpack.i.u.bf16.f32 v12  }
0x49: {  	s0 =	simm.s32 $0x71E0;
	v6 =	vadd.f32 v17, v7;
	v7 =	vadd.f32 v4, v18;
	v17 =	vunpack.i.l.bf16.f32 v15  }
0x4a: {  	s15 =	sand.u32 $0x30, s6;
	v20 =	vunpack.i.l.bf16.f32 v21;
	v22 =	vunpack.i.l.bf16.f32 v8;
	v27 =	vunpack.i.u.bf16.f32 v8;
	v8 =	vld [tilespmem:s0+$0xFFFFFFF0]  }
0x4b: {  	v18 =	vunpack.i.u.bf16.f32 v16;
	v16 =	vunpack.i.l.bf16.f32 v16;
	v13 =	vadd.f32 v20, v13;
	v20 =	vld.idx.msk [tilespmem:v2+s15+$0x0 ss:$0x1], $0xffff  }
0x4c: {  	v26 =	vld [tilespmem:s0+$0xFFFFFFE0];
	v23 =	vunpack.i.u.bf16.f32 v11;
	v24 =	vunpack.i.l.bf16.f32 v11;
	v11 =	vunpack.i.l.bf16.f32 v19  }
0x4d: {  	v19 =	vunpack.i.u.bf16.f32 v19;
	v9 =	vadd.f32 v11, v9;
	v11 =	vmax.f32 v13, $0.0e+00  }
0x4e: {  	s1 =	sand.u32 $0xE, s6;
	v17 =	vadd.f32 v22, v17;
	v22 =	vadd.s32 $0x10, v25;
	v25 =	vld [tilespmem:s0+$0x0];
	v13 =	vadd.f32 v11, v3  }
0x4f: {  	v12 =	vadd.f32 v19, v12;
	v19 =	vmov s1;
	v9 =	vmax.f32 v9, $0.0e+00  }
0x50: {  	v28 =	vunpack.i.u.bf16.f32 v8;
	v9 =	vadd.f32 v9, v13;
	v13 =	vperm.xlane v20, v19  }
0x51: {  	v19 =	vperm.xlane v20, v22;
	v20 =	vunpack.i.u.bf16.f32 v26;
	v22 =	vunpack.i.l.bf16.f32 v26;
	v26 =	vld [tilespmem:s0+$0x10]  }
0x52: {  	v15 =	vunpack.i.u.bf16.f32 v15;
	v28 =	vadd.f32 v28, v7;
	v7 =	vunpack.i.l.bf16.f32 v8  }
0x53: {  	s7 =	simm.s32 $0x55E0;
	v8 =	vunpack.i.u.bf16.f32 v25;
	v20 =	vadd.f32 v20, v10;
	v31 =	vadd.s32 v0, v19  }
0x54: {  	v4 =	vld [tilespmem:s7+$0xFFFFFFF0];
	v5 =	vadd.f32 v22, v5;
	v22 =	vadd.f32 v7, v6;
	v29 =	vadd.s32 v0, v13  }
0x55: {  	v10 =	vld [tilespmem:s7+$0x0];
	v7 =	vunpack.i.l.bf16.f32 v25;
	v30 =	vadd.s32 v1, v13;
	v6 =	vadd.f32 v8, v20  }
0x56: {  	v7 =	vadd.f32 v7, v5;
	v8 =	vunpack.i.u.bf16.f32 v26;
	v5 =	vunpack.i.l.bf16.f32 v26;
	v26 =	vld [tilespmem:s7+$0xFFFFFFE0]  }
0x57: {  	v15 =	vadd.f32 v27, v15;
	v27 =	vadd.f32 v24, v16;
	v13 =	vld [tilespmem:s7+$0x10];
	v32 =	vadd.s32 v1, v19  }
0x58: {  	v18 =	vadd.f32 v23, v18;
	v12 =	vmax.f32 v12, $0.0e+00;
	v24 =	vmax.f32 v17, $0.0e+00;
	v19 =	vld.idx.msk [tilespmem:v31+s18+$0x0], $0xffff  }
0x59: {  	v27 =	vmax.f32 v27, $0.0e+00;
	v5 =	vadd.f32 v5, v22;
	v22 =	vunpack.i.u.bf16.f32 v21;
	v29 =	vld.idx.msk [tilespmem:v29+s18+$0x0], $0xffff  }
0x5a: {  	v25 =	vmax.f32 v15, $0.0e+00;
	v22 =	vadd.f32 v22, v14;
	v14 =	vmax.f32 v18, $0.0e+00  }
0x5b: {  	v16 =	vunpack.i.u.bf16.f32 v26;
	v15 =	vunpack.i.l.bf16.f32 v26;
	v26 =	vadd.f32 v14, v3;
	v14 =	vld.idx.msk [tilespmem:v30+s18+$0x0], $0xffff  }
0x5c: {  	v11 =	vunpack.i.l.bf16.f32 v4;
	v8 =	vadd.f32 v8, v28;
	v28 =	vmax.f32 v22, $0.0e+00;
	v22 =	vld.idx.msk [tilespmem:v32+s18+$0x0], $0xffff  }
0x5d: {  	v27 =	vadd.f32 v27, v3;
	v21 =	vunpack.i.l.bf16.f32 v10;
	v20 =	vunpack.i.l.bf16.f32 v13  }
0x5e: {  	s15 =	simm.s32 $0x4;
	s1 =	simm.s32 $0x5620;
	v23 =	vunpack.i.l.bf16.f32 v19;
	v18 =	vunpack.i.u.bf16.f32 v29;
	v17 =	vunpack.i.l.bf16.f32 v29  }
.LBB2_3:
0x5f: {  	s17 =	sand.u32 $0x30, s15  }
0x60: {  	v29 =	vld [tilespmem:s1+$0xFFFFFFF0];
	s20 =	sand.u32 $0xF, s15;
	v30 =	vunpack.i.l.bf16.f32 v14;
	v3 =	vadd.f32 v28, v3;
	v26 =	vadd.f32 v25, v26;
	s6 =	smov.u32 s15;
	s5 =	sadd.s32 $0x2, s15  }
0x61: {  	p0 =	slt.u32 s15, $0x30;
	v28 =	vunpack.i.l.bf16.f32 v22;
	s0 =	sadd.s32 $0x40, s0;
	v25 =	vld.idx.msk [tilespmem:v2+s17+$0x0 ss:$0x1], $0xffff;
	s17 =	sadd.s32 $0x1, s20;
	v11 =	vadd.f32 v30, v11;
	v27 =	vadd.f32 v24, v27  }
0x62: {  	v20 =	vadd.f32 v28, v20;
	v24 =	vld [tilespmem:s0+$0xFFFFFFE0];
	v30 =	vmov s17;
	v3 =	vadd.f32 v12, v3  }
0x63: {  	v31 =	vunpack.i.u.bf16.f32 v19;
	v23 =	vadd.f32 v23, v21;
	v28 =	vld [tilespmem:s0+$0xFFFFFFF0];
	v11 =	vmax.f32 v11, $0.0e+00  }
0x64: {  	v12 =	vunpack.i.u.bf16.f32 v13;
	v13 =	vunpack.i.u.bf16.f32 v22;
	v9 =	vadd.f32 v11, v9  }
0x65: {  	s6 =	sand.u32 $0xE, s6;
	v19 =	vmax.f32 v20, $0.0e+00;
	v12 =	vadd.f32 v13, v12;
	v11 =	vunpack.i.l.bf16.f32 v29  }
0x66: {  	v13 =	vmov s6;
	v20 =	vadd.s32 $0x10, v30;
	v21 =	vld [tilespmem:s0+$0x0];
	v9 =	vadd.f32 v19, v9  }
0x67: {  	v12 =	vmax.f32 v12, $0.0e+00;
	v13 =	vperm.xlane v25, v13;
	v19 =	vperm.xlane v25, v20  }
0x68: {  	v20 =	vunpack.i.u.bf16.f32 v24;
	v22 =	vunpack.i.l.bf16.f32 v24;
	v24 =	vunpack.i.u.bf16.f32 v28;
	v25 =	vld [tilespmem:s0+$0x10]  }
0x69: {  	v30 =	vadd.s32 v0, v13;
	v32 =	vadd.s32 v1, v13;
	v33 =	vadd.s32 v0, v19  }
0x6a: {  	v6 =	vadd.f32 v20, v6;
	v8 =	vadd.f32 v24, v8;
	v24 =	vadd.s32 v1, v19;
	v13 =	vld [tilespmem:s1+$0x10]  }
0x6b: {  	v7 =	vadd.f32 v22, v7;
	v19 =	vunpack.i.l.bf16.f32 v28;
	v20 =	vunpack.i.u.bf16.f32 v21  }
0x6c: {  	v5 =	vadd.f32 v19, v5;
	v19 =	vunpack.i.l.bf16.f32 v21;
	v28 =	vld [tilespmem:s1+$0x0];
	v6 =	vadd.f32 v20, v6  }
0x6d: {  	v7 =	vadd.f32 v19, v7;
	v34 =	vld [tilespmem:s1+$0xFFFFFFE0];
	v20 =	vunpack.i.u.bf16.f32 v25;
	v21 =	vunpack.i.l.bf16.f32 v25  }
0x6e: {  	v19 =	vld.idx.msk [tilespmem:v33+s18+$0x0], $0xffff;
	v5 =	vadd.f32 v21, v5;
	v8 =	vadd.f32 v20, v8  }
0x6f: {  	v25 =	vunpack.i.u.bf16.f32 v4;
	v4 =	vmovc v29;
	v33 =	vunpack.i.u.bf16.f32 v10;
	v30 =	vld.idx.msk [tilespmem:v30+s18+$0x0], $0xffff;
	v20 =	vunpack.i.l.bf16.f32 v13  }
0x70: {  	v16 =	vadd.f32 v18, v16;
	v18 =	vunpack.i.u.bf16.f32 v14;
	v29 =	vadd.f32 v31, v33;
	v14 =	vld.idx.msk [tilespmem:v32+s18+$0x0], $0xffff  }
.Ltmp0:
0x71: {  	v17 =	vadd.f32 v17, v15;
	v18 =	vadd.f32 v18, v25;
	v21 =	vunpack.i.l.bf16.f32 v28;
	v22 =	vld.idx.msk [tilespmem:v24+s18+$0x0], $0xffff;
	v10 =	vmovc v28;
	(pc) =	sbr.rel @p0 .LBB2_3-.Ltmp0, $4  }
0x72: {  	v28 =	vmax.f32 v16, $0.0e+00;
	v24 =	vmax.f32 v23, $0.0e+00;
	v25 =	vmax.f32 v29, $0.0e+00  }
0x73: {  	v16 =	vunpack.i.u.bf16.f32 v34;
	v15 =	vunpack.i.l.bf16.f32 v34;
	v26 =	vadd.f32 v28, v26  }
0x74: {  	v29 =	vmax.f32 v17, $0.0e+00;
	v28 =	vmax.f32 v18, $0.0e+00;
	v23 =	vunpack.i.l.bf16.f32 v19  }
0x75: {  	s15 =	smov.u32 s5;
	s1 =	sadd.s32 $0x40, s1;
	v27 =	vadd.f32 v29, v27;
	v18 =	vunpack.i.u.bf16.f32 v30;
	v17 =	vunpack.i.l.bf16.f32 v30  }
0x76: {  	v29 =	vunpack.i.l.bf16.f32 v14;
	v3 =	vadd.f32 v28, v3  }
0x77: {  	v25 =	vadd.f32 v25, v26;
	v56 =	vunpack.i.l.bf16.f32 v22;
	v16 =	vadd.f32 v18, v16  }
0x78: {  	v4 =	vunpack.i.u.bf16.f32 v4;
	v15 =	vadd.f32 v17, v15;
	v11 =	vadd.f32 v29, v11  }
0x79: {  	v14 =	vunpack.i.u.bf16.f32 v14;
	v24 =	vadd.f32 v24, v27;
	v20 =	vadd.f32 v56, v20  }
0x7a: {  	v10 =	vunpack.i.u.bf16.f32 v10;
	v4 =	vadd.f32 v14, v4;
	v3 =	vadd.f32 v12, v3  }
0x7b: {  	v12 =	vunpack.i.u.bf16.f32 v19;
	v19 =	vadd.f32 v23, v21;
	v11 =	vmax.f32 v11, $0.0e+00  }
0x7c: {  	v10 =	vadd.f32 v12, v10;
	v12 =	vmax.f32 v16, $0.0e+00;
	v4 =	vmax.f32 v4, $0.0e+00  }
0x7d: {  	v9 =	vadd.f32 v11, v9;
	v11 =	vunpack.i.u.bf16.f32 v13;
	v13 =	vunpack.i.u.bf16.f32 v22  }
0x7e: {  	v12 =	vadd.f32 v12, v25;
	v11 =	vadd.f32 v13, v11;
	v13 =	vmax.f32 v15, $0.0e+00  }
0x7f: {  	v14 =	vmax.f32 v19, $0.0e+00;
	v10 =	vmax.f32 v10, $0.0e+00;
	v13 =	vadd.f32 v13, v24  }
0x80: {  	v3 =	vadd.f32 v4, v3;
	v4 =	vmax.f32 v20, $0.0e+00;
	v10 =	vadd.f32 v10, v12  }
0x81: {  	v4 =	vadd.f32 v4, v9;
	v9 =	vmax.f32 v11, $0.0e+00;
	v12 =	vadd.f32 v14, v13  }
0x82: {  	v7 =	vmul.f32 $1.999999960e-02, v7;
	v6 =	vmul.f32 $1.999999960e-02, v6;
	v3 =	vadd.f32 v9, v3  }
0x83: {  	v10 =	vmul.f32 $1.999999960e-02, v10;
	v9 =	vmul.f32 $1.999999960e-02, v12  }
0x84: {  	s0 =	sshll.u32 s19, $0x7;
	v6 =	vpack.i.f32.bf16 v6, v7;
	v4 =	vmul.f32 $1.999999960e-02, v4;
	v3 =	vmul.f32 $1.999999960e-02, v3  }
0x85: {  	v5 =	vmul.f32 $1.999999960e-02, v5;
	v7 =	vmul.f32 $1.999999960e-02, v8;
	[tilespmem:s0+$0xAD80] =	vst v6;
	v9 =	vpack.i.f32.bf16 v10, v9  }
0x86: {  	v3 =	vpack.i.f32.bf16 v3, v4;
	[tilespmem:s0+$0x9D80] =	vst v9  }
0x87: {  	s1 =	simm.s32 $0x38;
	[tilespmem:s0+$0x9D90] =	vst v3;
	v3 =	vpack.i.f32.bf16 v7, v5  }
0x88: {  	s5 =	sand.u32 $0x70, s1;
	[tilespmem:s0+$0xAD90] =	vst v3  }
0x89: {  	v3 =	vld.idx.msk [tilespmem:v2+s5+$0x0 ss:$0x1], $0xffff  }
0x8a: {  	s6 =	simm.s32 $0x78B0  }
0x8b: {  	s15 =	simm.s32 $0x38;
	v4 =	vld [tilespmem:s6+$0xFFFFFFF0]  }
0x8c: {  	s1 =	sand.u32 $0xE, s1;
	s5 =	sand.u32 $0xFFFFFFF0, s15;
	v6 =	vld [tilespmem:s6+$0x0]  }
0x8d: {  	v5 =	vmov s1;
	v7 =	vld [tilespmem:s6+$0xFFFFFFD0];
	s5 =	ssub.s32 $0x36, s5  }
0x8e: {  	s20 =	simm.s32 $0x5CB0;
	v9 =	vld [tilespmem:s6+$0xFFFFFFE0];
	s17 =	sadd.s32 $0x3, s5;
	v5 =	vperm.xlane v3, v5  }
0x8f: {  	v11 =	vld [tilespmem:s20+$0xFFFFFFF0];
	v8 =	vmov s17  }
0x90: {  	v13 =	vld [tilespmem:s20+$0xFFFFFFD0];
	v8 =	vadd.s32 $0x10, v8;
	v10 =	vadd.s32 v0, v5  }
0x91: {  	v19 =	vimm.f32 $0.0e+00;
	s1 =	simm.s32 $0x3A;
	v14 =	vld [tilespmem:s20+$0xFFFFFFE0];
	v3 =	vperm.xlane v3, v8;
	v16 =	vunpack.i.u.bf16.f32 v4  }
0x92: {  	s7 =	sand.u32 $0x70, s1;
	v18 =	vunpack.i.l.bf16.f32 v4;
	v4 =	vunpack.i.l.bf16.f32 v6;
	v5 =	vadd.s32 v1, v5  }
0x93: {  	s15 =	simm.s32 $0x3A;
	v17 =	vld.idx.msk [tilespmem:v2+s7+$0x0 ss:$0x1], $0xffff;
	v20 =	vunpack.i.u.bf16.f32 v7;
	v7 =	vunpack.i.l.bf16.f32 v7;
	v15 =	vadd.s32 v1, v3  }
0x94: {  	s17 =	sand.u32 $0xFFFFFFF0, s15;
	v8 =	vld [tilespmem:s20+$0x0];
	v23 =	vunpack.i.u.bf16.f32 v9;
	v57 =	vunpack.i.l.bf16.f32 v9;
	v12 =	vadd.s32 v0, v3  }
0x95: {  	s5 =	ssub.s32 $0x38, s17;
	v22 =	vunpack.i.l.bf16.f32 v11;
	v59 =	vunpack.i.u.bf16.f32 v13;
	v3 =	vunpack.i.u.bf16.f32 v6;
	v6 =	vld.idx.msk [tilespmem:v10+s18+$0x0], $0xffff  }
0x96: {  	s5 =	sadd.s32 $0x3, s5;
	v13 =	vunpack.i.l.bf16.f32 v13;
	v61 =	vunpack.i.u.bf16.f32 v14;
	v7 =	vadd.f32 v7, v19  }
0x97: {  	v14 =	vunpack.i.l.bf16.f32 v14;
	v21 =	vmov s5;
	v20 =	vadd.f32 v20, v19;
	v5 =	vld.idx.msk [tilespmem:v5+s18+$0x0], $0xffff  }
0x98: {  	s20 =	sand.u32 $0xE, s1;
	v9 =	vadd.s32 $0x10, v21;
	v21 =	vunpack.i.u.bf16.f32 v11;
	v7 =	vadd.f32 v18, v7;
	v15 =	vld.idx.msk [tilespmem:v15+s18+$0x0], $0xffff  }
0x99: {  	v18 =	vadd.f32 v57, v19;
	v60 =	vunpack.i.u.bf16.f32 v8;
	v10 =	vmov s20;
	v58 =	vld.idx.msk [tilespmem:v12+s18+$0x0], $0xffff  }
0x9a: {  	v12 =	vperm.xlane v17, v10;
	v10 =	vperm.xlane v17, v9;
	v9 =	vunpack.i.l.bf16.f32 v6  }
0x9b: {  	v8 =	vunpack.i.l.bf16.f32 v8;
	v6 =	vunpack.i.u.bf16.f32 v6;
	v9 =	vadd.f32 v9, v13  }
0x9c: {  	v6 =	vadd.f32 v6, v59;
	v13 =	vunpack.i.u.bf16.f32 v5;
	v5 =	vunpack.i.l.bf16.f32 v5  }
0x9d: {  	v62 =	vunpack.i.u.bf16.f32 v15;
	v5 =	vadd.f32 v5, v14;
	v17 =	vadd.f32 v13, v61  }
0x9e: {  	v13 =	vunpack.i.u.bf16.f32 v58;
	v14 =	vunpack.i.l.bf16.f32 v58;
	v9 =	vmax.f32 v9, $0.0e+00  }
0x9f: {  	s17 =	simm.s32 $0x78F0;
	v14 =	vadd.f32 v14, v22;
	v21 =	vadd.f32 v13, v21;
	v13 =	vunpack.i.l.bf16.f32 v15  }
0xa0: {  	v6 =	vmax.f32 v6, $0.0e+00;
	v22 =	vadd.f32 v13, v8;
	v13 =	vld [tilespmem:s17+$0xFFFFFFF0];
	v8 =	vadd.f32 v9, v19  }
0xa1: {  	v25 =	vadd.f32 v62, v60;
	v6 =	vadd.f32 v6, v19;
	v9 =	vld [tilespmem:s17+$0x0];
	v15 =	vmax.f32 v14, $0.0e+00  }
0xa2: {  	v63 =	vmax.f32 v5, $0.0e+00;
	v21 =	vmax.f32 v21, $0.0e+00;
	v14 =	vld [tilespmem:s17+$0xFFFFFFD0];
	v5 =	vadd.f32 v15, v8  }
0xa3: {  	s5 =	simm.s32 $0x5CF0;
	v17 =	vmax.f32 v17, $0.0e+00;
	v6 =	vadd.f32 v21, v6;
	v15 =	vld [tilespmem:s17+$0xFFFFFFE0];
	v8 =	vadd.f32 v16, v20  }
0xa4: {  	v11 =	vadd.s32 v0, v12;
	v16 =	vld [tilespmem:s5+$0xFFFFFFF0];
	v20 =	vadd.f32 v63, v19;
	v21 =	vadd.f32 v17, v19  }
0xa5: {  	v22 =	vmax.f32 v22, $0.0e+00;
	v17 =	vld [tilespmem:s5+$0x0];
	v19 =	vadd.f32 v23, v19;
	v23 =	vmax.f32 v25, $0.0e+00  }
.LBB2_5:
0xa6: {  	v24 =	vld [tilespmem:s5+$0xFFFFFFD0];
	v12 =	vadd.s32 v1, v12;
	v20 =	vadd.f32 v22, v20;
	v21 =	vadd.f32 v23, v21;
	s6 =	smov.u32 s1;
	s1 =	sadd.s32 $0x2, s1  }
0xa7: {  	v23 =	vadd.s32 v0, v10;
	s15 =	sadd.s32 $0x2, s15;
	s20 =	sand.u32 $0x70, s1;
	p0 =	slt.u32 s1, $0x68;
	v22 =	vld [tilespmem:s5+$0xFFFFFFE0];
	v18 =	vadd.f32 v4, v18;
	v19 =	vadd.f32 v3, v19  }
0xa8: {  	v26 =	vunpack.i.u.bf16.f32 v13;
	v10 =	vadd.s32 v1, v10;
	s7 =	sand.u32 $0xFFFFFFF0, s15;
	v25 =	vld.idx.msk [tilespmem:v2+s20+$0x0 ss:$0x1], $0xffff  }
0xa9: {  	v28 =	vunpack.i.l.bf16.f32 v13;
	v3 =	vunpack.i.u.bf16.f32 v9;
	v4 =	vunpack.i.l.bf16.f32 v9;
	s6 =	ssub.s32 s6, s7;
	v27 =	vld.idx.msk [tilespmem:v11+s18+$0x0], $0xffff  }
0xaa: {  	v29 =	vunpack.i.u.bf16.f32 v14;
	v14 =	vunpack.i.l.bf16.f32 v14;
	s7 =	sand.u32 $0xE, s1;
	v30 =	vunpack.i.u.bf16.f32 v15;
	s6 =	sadd.s32 $0x3, s6  }
0xab: {  	v31 =	vunpack.i.l.bf16.f32 v15;
	v9 =	vmov s7;
	v11 =	vmov s6;
	v13 =	vld.idx.msk [tilespmem:v12+s18+$0x0], $0xffff  }
0xac: {  	v15 =	vunpack.i.u.bf16.f32 v16;
	v16 =	vunpack.i.l.bf16.f32 v16;
	v11 =	vadd.s32 $0x10, v11;
	v23 =	vld.idx.msk [tilespmem:v23+s18+$0x0], $0xffff  }
0xad: {  	v33 =	vunpack.i.u.bf16.f32 v17;
	v17 =	vunpack.i.l.bf16.f32 v17;
	v32 =	vunpack.i.u.bf16.f32 v24;
	v34 =	vld.idx.msk [tilespmem:v10+s18+$0x0], $0xffff  }
0xae: {  	v12 =	vperm.xlane v25, v9;
	v9 =	vunpack.i.l.bf16.f32 v24;
	v24 =	vunpack.i.u.bf16.f32 v22  }
0xaf: {  	v10 =	vperm.xlane v25, v11;
	v22 =	vunpack.i.l.bf16.f32 v22;
	v25 =	vunpack.i.l.bf16.f32 v27  }
0xb0: {  	v27 =	vunpack.i.u.bf16.f32 v27;
	v11 =	vadd.s32 v0, v12;
	v9 =	vadd.f32 v25, v9  }
0xb1: {  	v25 =	vadd.f32 v27, v32;
	v27 =	vunpack.i.u.bf16.f32 v13;
	v13 =	vunpack.i.l.bf16.f32 v13  }
0xb2: {  	v9 =	vmax.f32 v9, $0.0e+00;
	v22 =	vadd.f32 v13, v22;
	v24 =	vadd.f32 v27, v24  }
0xb3: {  	v13 =	vunpack.i.u.bf16.f32 v23;
	v23 =	vunpack.i.l.bf16.f32 v23;
	v27 =	vunpack.i.u.bf16.f32 v34  }
0xb4: {  	v16 =	vadd.f32 v23, v16;
	v15 =	vadd.f32 v13, v15;
	v13 =	vunpack.i.l.bf16.f32 v34  }
0xb5: {  	s17 =	sadd.s32 $0x40, s17;
	v23 =	vmax.f32 v25, $0.0e+00;
	v17 =	vadd.f32 v13, v17;
	v25 =	vadd.f32 v27, v33  }
0xb6: {  	v5 =	vadd.f32 v9, v5;
	v6 =	vadd.f32 v23, v6;
	v16 =	vmax.f32 v16, $0.0e+00;
	v13 =	vld [tilespmem:s17+$0xFFFFFFF0]  }
.Ltmp1:
0xb7: {  	v7 =	vadd.f32 v14, v7;
	v8 =	vadd.f32 v29, v8;
	v15 =	vmax.f32 v15, $0.0e+00;
	v9 =	vld [tilespmem:s17+$0x0];
	(pc) =	sbr.rel @p0 .LBB2_5-.Ltmp1, $4  }
0xb8: {  	v22 =	vmax.f32 v22, $0.0e+00;
	v5 =	vadd.f32 v16, v5;
	v6 =	vadd.f32 v15, v6;
	v14 =	vld [tilespmem:s17+$0xFFFFFFD0]  }
0xb9: {  	s5 =	sadd.s32 $0x40, s5;
	v7 =	vadd.f32 v28, v7;
	v8 =	vadd.f32 v26, v8;
	v23 =	vmax.f32 v24, $0.0e+00;
	v15 =	vld [tilespmem:s17+$0xFFFFFFE0]  }
0xba: {  	v20 =	vadd.f32 v22, v20;
	v21 =	vadd.f32 v23, v21;
	v22 =	vmax.f32 v17, $0.0e+00;
	v16 =	vld [tilespmem:s5+$0xFFFFFFF0]  }
0xbb: {  	v18 =	vadd.f32 v31, v18;
	v19 =	vadd.f32 v30, v19;
	v23 =	vmax.f32 v25, $0.0e+00;
	v17 =	vld [tilespmem:s5+$0x0]  }
0xbc: {  	_ =	sdelay $0x1  }
0xbd: {  	v2 =	vadd.s32 v1, v12  }
0xbe: {  	v12 =	vld [tilespmem:s5+$0xFFFFFFD0];
	v24 =	vadd.s32 v0, v10;
	v20 =	vadd.f32 v22, v20;
	v21 =	vadd.f32 v23, v21  }
0xbf: {  	v10 =	vadd.s32 v1, v10;
	v11 =	vld.idx.msk [tilespmem:v11+s18+$0x0], $0xffff;
	v4 =	vadd.f32 v4, v18;
	v3 =	vadd.f32 v3, v19  }
0xc0: {  	v18 =	vunpack.i.u.bf16.f32 v13;
	v13 =	vunpack.i.l.bf16.f32 v13;
	v19 =	vunpack.i.u.bf16.f32 v9  }
0xc1: {  	v23 =	vunpack.i.u.bf16.f32 v14;
	v14 =	vunpack.i.l.bf16.f32 v14;
	v25 =	vunpack.i.u.bf16.f32 v15  }
0xc2: {  	v22 =	vld [tilespmem:s5+$0xFFFFFFE0];
	v15 =	vunpack.i.l.bf16.f32 v15;
	v7 =	vadd.f32 v14, v7;
	v8 =	vadd.f32 v23, v8  }
0xc3: {  	v26 =	vunpack.i.u.bf16.f32 v16;
	v16 =	vunpack.i.l.bf16.f32 v16;
	v4 =	vadd.f32 v15, v4  }
0xc4: {  	v2 =	vld.idx.msk [tilespmem:v2+s18+$0x0], $0xffff;
	v27 =	vunpack.i.u.bf16.f32 v12;
	v12 =	vunpack.i.l.bf16.f32 v12;
	v30 =	vunpack.i.l.bf16.f32 v11  }
0xc5: {  	v3 =	vadd.f32 v25, v3;
	v24 =	vld.idx.msk [tilespmem:v24+s18+$0x0], $0xffff;
	v11 =	vunpack.i.u.bf16.f32 v11;
	v12 =	vadd.f32 v30, v12  }
0xc6: {  	v28 =	vunpack.i.u.bf16.f32 v17;
	v7 =	vadd.f32 v13, v7;
	v10 =	vld.idx.msk [tilespmem:v10+s18+$0x0], $0xffff;
	v11 =	vadd.f32 v11, v27  }
0xc7: {  	v8 =	vadd.f32 v18, v8;
	v29 =	vunpack.i.u.bf16.f32 v22;
	v12 =	vmax.f32 v12, $0.0e+00  }
0xc8: {  	v22 =	vunpack.i.l.bf16.f32 v22;
	v11 =	vmax.f32 v11, $0.0e+00;
	v5 =	vadd.f32 v12, v5  }
0xc9: {  	v6 =	vadd.f32 v11, v6;
	v27 =	vunpack.i.u.bf16.f32 v2;
	v2 =	vunpack.i.l.bf16.f32 v2  }
0xca: {  	v17 =	vunpack.i.l.bf16.f32 v17;
	v2 =	vadd.f32 v2, v22;
	v22 =	vadd.f32 v27, v29  }
0xcb: {  	v27 =	vunpack.i.u.bf16.f32 v24;
	v24 =	vunpack.i.l.bf16.f32 v24;
	v29 =	vunpack.i.u.bf16.f32 v10  }
0xcc: {  	v10 =	vunpack.i.l.bf16.f32 v10;
	v16 =	vadd.f32 v24, v16;
	v24 =	vadd.f32 v27, v26  }
0xcd: {  	v9 =	vunpack.i.l.bf16.f32 v9;
	v10 =	vadd.f32 v10, v17;
	v17 =	vadd.f32 v29, v28  }
0xce: {  	v2 =	vmax.f32 v2, $0.0e+00;
	v11 =	vmax.f32 v16, $0.0e+00;
	v12 =	vmax.f32 v24, $0.0e+00  }
0xcf: {  	v2 =	vadd.f32 v2, v20;
	v5 =	vadd.f32 v11, v5;
	v11 =	vmax.f32 v22, $0.0e+00  }
0xd0: {  	v10 =	vmax.f32 v10, $0.0e+00;
	v6 =	vadd.f32 v12, v6;
	v11 =	vadd.f32 v11, v21  }
0xd1: {  	v4 =	vadd.f32 v9, v4;
	v12 =	vmax.f32 v17, $0.0e+00;
	v2 =	vadd.f32 v10, v2  }
0xd2: {  	v5 =	vmul.f32 $1.999999960e-02, v5;
	v6 =	vmul.f32 $1.999999960e-02, v6;
	v10 =	vadd.f32 v12, v11  }
0xd3: {  	v3 =	vadd.f32 v19, v3;
	v7 =	vmul.f32 $1.999999960e-02, v7;
	v8 =	vmul.f32 $1.999999960e-02, v8  }
0xd4: {  	v2 =	vmul.f32 $1.999999960e-02, v2;
	v5 =	vpack.i.f32.bf16 v6, v5;
	v6 =	vmul.f32 $1.999999960e-02, v10  }
0xd5: {  	p0 =	seq.s32 s19, $0x1F;
	v4 =	vmul.f32 $1.999999960e-02, v4;
	v3 =	vmul.f32 $1.999999960e-02, v3;
	[tilespmem:s0+$0x9DA0] =	vst v5;
	v5 =	vpack.i.f32.bf16 v8, v7  }
0xd6: {  	s1 =	smul.u32 @!p0 $0xE0, s19;
	[tilespmem:s0+$0xADA0] =	vst v5;
	v2 =	vpack.i.f32.bf16 v6, v2  }
0xd7: {  	[tilespmem:s0+$0x9DB0] =	vst v2;
	v2 =	vpack.i.f32.bf16 v3, v4  }
0xd8: {  	s5 =	simm.s32 @!p0 $0x70;
	s6 =	simm.s32 @!p0 $0x5580;
	[tilespmem:s0+$0xADB0] =	vst v2;
	s0 =	sadd.s32 @!p0 $0xE0, s1  }
0xd9: {  	[tilespmem:s6], [sflag:$0x1] =	stream.indirect.gather @!p0 [hbm4b:s3+s5], $0x20, s0, s5, $0xb8;
	[tilespmem:$0xBD80] =	vst v63  }
0xda: {  	s0 =	sadd.s32 @!p0 $0x38E0, s1;
	s1 =	simm.s32 @!p0 $0x7180  }
0xdb: {  	[tilespmem:s1], [sflag:$0x3] =	stream.indirect.gather @!p0 [hbm4b:s4+s5], $0x20, s0, s5, $0xb8;
	[tilespmem:$0xBD80] =	vst v63  }
0xdc: {  	s17 =	sadd.s32 $0x1C00, s23;
	_ =	swait.ge [sflag:s29], $0xE00  }
0xdd: {  	v2 =	vmov s17;
	[sflag:s29] =	ssyncset.done $0x0  }
0xde: {  	[sflag:s29] =	ssyncadd.s32 $0xFFFFF200  }
0xdf: {  	_ =	swait.ge [sflag:s30], $0xE00  }
0xe0: {  	s20 =	simm.s32 $0x0;
	[sflag:s30] =	ssyncset.done $0x0  }
0xe1: {  	s23 =	sand.u32 $0x30, s20;
	[sflag:s30] =	ssyncadd.s32 $0xFFFFF200  }
0xe2: {  	v3 =	vld.idx.msk [tilespmem:v2+s23+$0x0 ss:$0x1], $0xffff  }
0xe3: {  	s5 =	sand.u32 $0xF, s20  }
0xe4: {  	s1 =	sadd.s32 $0x1, s5  }
0xe5: {  	s6 =	simm.s32 $0x63A0;
	v4 =	vmov s1  }
0xe6: {  	s7 =	simm.s32 $0x7FA0;
	s0 =	sand.u32 $0xE, s20;
	v4 =	vadd.s32 $0x10, v4;
	v14 =	vld [tilespmem:s6+$0xFFFFFFF0]  }
0xe7: {  	v6 =	vmov s0;
	v5 =	vld [tilespmem:s7+$0xFFFFFFE0];
	v4 =	vperm.xlane v3, v4  }
0xe8: {  	v7 =	vld [tilespmem:s7+$0xFFFFFFF0];
	v3 =	vperm.xlane v3, v6  }
0xe9: {  	v9 =	vld [tilespmem:s7+$0x10];
	v8 =	vadd.s32 v0, v4  }
0xea: {  	v12 =	vld [tilespmem:s6+$0x10];
	v10 =	vadd.s32 v1, v3  }
0xeb: {  	v6 =	vld [tilespmem:s7+$0x0];
	v11 =	vadd.s32 v0, v3  }
0xec: {  	s15 =	simm.s32 $0x2;
	v15 =	vld [tilespmem:s6+$0x0];
	v13 =	vunpack.i.l.bf16.f32 v14;
	v17 =	vunpack.i.u.bf16.f32 v5;
	v4 =	vadd.s32 v1, v4  }
0xed: {  	s20 =	sand.u32 $0xF, s15;
	v16 =	vld [tilespmem:s6+$0xFFFFFFE0];
	v5 =	vunpack.i.l.bf16.f32 v5;
	v18 =	vunpack.i.u.bf16.f32 v7;
	v3 =	vimm.f32 $0.0e+00  }
0xee: {  	v7 =	vunpack.i.l.bf16.f32 v7;
	s7 =	sadd.s32 $0x1, s20;
	v14 =	vunpack.i.u.bf16.f32 v14;
	v17 =	vadd.f32 v17, v3;
	v8 =	vld.idx.msk [tilespmem:v8+s18+$0x0], $0xffff  }
0xef: {  	v25 =	vmov s7;
	v18 =	vadd.f32 v18, v3;
	v5 =	vadd.f32 v5, v3;
	v21 =	vld.idx.msk [tilespmem:v10+s18+$0x0], $0xffff  }
0xf0: {  	v7 =	vadd.f32 v7, v3;
	v10 =	vunpack.i.u.bf16.f32 v6;
	v11 =	vld.idx.msk [tilespmem:v11+s18+$0x0], $0xffff;
	v6 =	vunpack.i.l.bf16.f32 v6  }
0xf1: {  	v19 =	vld.idx.msk [tilespmem:v4+s18+$0x0], $0xffff;
	v4 =	vunpack.i.u.bf16.f32 v9;
	v10 =	vadd.f32 v10, v17;
	v17 =	vunpack.i.l.bf16.f32 v9  }
0xf2: {  	v5 =	vadd.f32 v6, v5;
	v9 =	vunpack.i.l.bf16.f32 v12;
	v12 =	vunpack.i.u.bf16.f32 v12  }
0xf3: {  	s0 =	simm.s32 $0x7FE0;
	v6 =	vadd.f32 v17, v7;
	v7 =	vadd.f32 v4, v18;
	v17 =	vunpack.i.l.bf16.f32 v15  }
0xf4: {  	s23 =	sand.u32 $0x30, s15;
	v20 =	vunpack.i.l.bf16.f32 v21;
	v22 =	vunpack.i.l.bf16.f32 v8;
	v27 =	vunpack.i.u.bf16.f32 v8;
	v8 =	vld [tilespmem:s0+$0xFFFFFFF0]  }
0xf5: {  	v18 =	vunpack.i.u.bf16.f32 v16;
	v16 =	vunpack.i.l.bf16.f32 v16;
	v13 =	vadd.f32 v20, v13;
	v20 =	vld.idx.msk [tilespmem:v2+s23+$0x0 ss:$0x1], $0xffff  }
0xf6: {  	v26 =	vld [tilespmem:s0+$0xFFFFFFE0];
	v23 =	vunpack.i.u.bf16.f32 v11;
	v24 =	vunpack.i.l.bf16.f32 v11;
	v11 =	vunpack.i.l.bf16.f32 v19  }
0xf7: {  	v19 =	vunpack.i.u.bf16.f32 v19;
	v9 =	vadd.f32 v11, v9;
	v11 =	vmax.f32 v13, $0.0e+00  }
0xf8: {  	s1 =	sand.u32 $0xE, s15;
	v17 =	vadd.f32 v22, v17;
	v22 =	vadd.s32 $0x10, v25;
	v25 =	vld [tilespmem:s0+$0x0];
	v13 =	vadd.f32 v11, v3  }
0xf9: {  	v12 =	vadd.f32 v19, v12;
	v19 =	vmov s1;
	v9 =	vmax.f32 v9, $0.0e+00  }
0xfa: {  	v28 =	vunpack.i.u.bf16.f32 v8;
	v9 =	vadd.f32 v9, v13;
	v13 =	vperm.xlane v20, v19  }
0xfb: {  	v19 =	vperm.xlane v20, v22;
	v20 =	vunpack.i.u.bf16.f32 v26;
	v22 =	vunpack.i.l.bf16.f32 v26;
	v26 =	vld [tilespmem:s0+$0x10]  }
0xfc: {  	v15 =	vunpack.i.u.bf16.f32 v15;
	v28 =	vadd.f32 v28, v7;
	v7 =	vunpack.i.l.bf16.f32 v8  }
0xfd: {  	s17 =	simm.s32 $0x63E0;
	v8 =	vunpack.i.u.bf16.f32 v25;
	v20 =	vadd.f32 v20, v10;
	v31 =	vadd.s32 v0, v19  }
0xfe: {  	v4 =	vld [tilespmem:s17+$0xFFFFFFF0];
	v5 =	vadd.f32 v22, v5;
	v22 =	vadd.f32 v7, v6;
	v29 =	vadd.s32 v0, v13  }
0xff: {  	v10 =	vld [tilespmem:s17+$0x0];
	v7 =	vunpack.i.l.bf16.f32 v25;
	v30 =	vadd.s32 v1, v13;
	v6 =	vadd.f32 v8, v20  }
0x100: {  	v7 =	vadd.f32 v7, v5;
	v8 =	vunpack.i.u.bf16.f32 v26;
	v5 =	vunpack.i.l.bf16.f32 v26;
	v26 =	vld [tilespmem:s17+$0xFFFFFFE0]  }
0x101: {  	v15 =	vadd.f32 v27, v15;
	v27 =	vadd.f32 v24, v16;
	v13 =	vld [tilespmem:s17+$0x10];
	v32 =	vadd.s32 v1, v19  }
0x102: {  	v18 =	vadd.f32 v23, v18;
	v12 =	vmax.f32 v12, $0.0e+00;
	v24 =	vmax.f32 v17, $0.0e+00;
	v19 =	vld.idx.msk [tilespmem:v31+s18+$0x0], $0xffff  }
0x103: {  	v27 =	vmax.f32 v27, $0.0e+00;
	v5 =	vadd.f32 v5, v22;
	v22 =	vunpack.i.u.bf16.f32 v21;
	v29 =	vld.idx.msk [tilespmem:v29+s18+$0x0], $0xffff  }
0x104: {  	v25 =	vmax.f32 v15, $0.0e+00;
	v22 =	vadd.f32 v22, v14;
	v14 =	vmax.f32 v18, $0.0e+00  }
0x105: {  	v16 =	vunpack.i.u.bf16.f32 v26;
	v15 =	vunpack.i.l.bf16.f32 v26;
	v26 =	vadd.f32 v14, v3;
	v14 =	vld.idx.msk [tilespmem:v30+s18+$0x0], $0xffff  }
0x106: {  	v11 =	vunpack.i.l.bf16.f32 v4;
	v8 =	vadd.f32 v8, v28;
	v28 =	vmax.f32 v22, $0.0e+00;
	v22 =	vld.idx.msk [tilespmem:v32+s18+$0x0], $0xffff  }
0x107: {  	v27 =	vadd.f32 v27, v3;
	v21 =	vunpack.i.l.bf16.f32 v10;
	v20 =	vunpack.i.l.bf16.f32 v13  }
0x108: {  	s15 =	simm.s32 $0x4;
	s1 =	simm.s32 $0x6420;
	v23 =	vunpack.i.l.bf16.f32 v19;
	v18 =	vunpack.i.u.bf16.f32 v29;
	v17 =	vunpack.i.l.bf16.f32 v29  }
.LBB2_7:
0x109: {  	s6 =	sand.u32 $0x30, s15  }
0x10a: {  	v29 =	vld [tilespmem:s1+$0xFFFFFFF0];
	s7 =	sand.u32 $0xF, s15;
	v30 =	vunpack.i.l.bf16.f32 v14;
	v3 =	vadd.f32 v28, v3;
	v26 =	vadd.f32 v25, v26;
	s17 =	smov.u32 s15;
	s5 =	sadd.s32 $0x2, s15  }
0x10b: {  	p0 =	slt.u32 s15, $0x30;
	v28 =	vunpack.i.l.bf16.f32 v22;
	s0 =	sadd.s32 $0x40, s0;
	v25 =	vld.idx.msk [tilespmem:v2+s6+$0x0 ss:$0x1], $0xffff;
	s6 =	sadd.s32 $0x1, s7;
	v11 =	vadd.f32 v30, v11;
	v27 =	vadd.f32 v24, v27  }
0x10c: {  	v20 =	vadd.f32 v28, v20;
	v24 =	vld [tilespmem:s0+$0xFFFFFFE0];
	v30 =	vmov s6;
	v3 =	vadd.f32 v12, v3  }
0x10d: {  	v31 =	vunpack.i.u.bf16.f32 v19;
	v23 =	vadd.f32 v23, v21;
	v28 =	vld [tilespmem:s0+$0xFFFFFFF0];
	v11 =	vmax.f32 v11, $0.0e+00  }
0x10e: {  	v12 =	vunpack.i.u.bf16.f32 v13;
	v13 =	vunpack.i.u.bf16.f32 v22;
	v9 =	vadd.f32 v11, v9  }
0x10f: {  	s6 =	sand.u32 $0xE, s17;
	v19 =	vmax.f32 v20, $0.0e+00;
	v12 =	vadd.f32 v13, v12;
	v11 =	vunpack.i.l.bf16.f32 v29  }
0x110: {  	v13 =	vmov s6;
	v20 =	vadd.s32 $0x10, v30;
	v21 =	vld [tilespmem:s0+$0x0];
	v9 =	vadd.f32 v19, v9  }
0x111: {  	v12 =	vmax.f32 v12, $0.0e+00;
	v13 =	vperm.xlane v25, v13;
	v19 =	vperm.xlane v25, v20  }
0x112: {  	v20 =	vunpack.i.u.bf16.f32 v24;
	v22 =	vunpack.i.l.bf16.f32 v24;
	v24 =	vunpack.i.u.bf16.f32 v28;
	v25 =	vld [tilespmem:s0+$0x10]  }
0x113: {  	v30 =	vadd.s32 v0, v13;
	v32 =	vadd.s32 v1, v13;
	v33 =	vadd.s32 v0, v19  }
0x114: {  	v6 =	vadd.f32 v20, v6;
	v8 =	vadd.f32 v24, v8;
	v24 =	vadd.s32 v1, v19;
	v13 =	vld [tilespmem:s1+$0x10]  }
0x115: {  	v7 =	vadd.f32 v22, v7;
	v19 =	vunpack.i.l.bf16.f32 v28;
	v20 =	vunpack.i.u.bf16.f32 v21  }
0x116: {  	v5 =	vadd.f32 v19, v5;
	v19 =	vunpack.i.l.bf16.f32 v21;
	v28 =	vld [tilespmem:s1+$0x0];
	v6 =	vadd.f32 v20, v6  }
0x117: {  	v7 =	vadd.f32 v19, v7;
	v34 =	vld [tilespmem:s1+$0xFFFFFFE0];
	v20 =	vunpack.i.u.bf16.f32 v25;
	v21 =	vunpack.i.l.bf16.f32 v25  }
0x118: {  	v19 =	vld.idx.msk [tilespmem:v33+s18+$0x0], $0xffff;
	v5 =	vadd.f32 v21, v5;
	v8 =	vadd.f32 v20, v8  }
0x119: {  	v25 =	vunpack.i.u.bf16.f32 v4;
	v4 =	vmovc v29;
	v33 =	vunpack.i.u.bf16.f32 v10;
	v30 =	vld.idx.msk [tilespmem:v30+s18+$0x0], $0xffff;
	v20 =	vunpack.i.l.bf16.f32 v13  }
0x11a: {  	v16 =	vadd.f32 v18, v16;
	v18 =	vunpack.i.u.bf16.f32 v14;
	v29 =	vadd.f32 v31, v33;
	v14 =	vld.idx.msk [tilespmem:v32+s18+$0x0], $0xffff  }
.Ltmp2:
0x11b: {  	v17 =	vadd.f32 v17, v15;
	v18 =	vadd.f32 v18, v25;
	v21 =	vunpack.i.l.bf16.f32 v28;
	v22 =	vld.idx.msk [tilespmem:v24+s18+$0x0], $0xffff;
	v10 =	vmovc v28;
	(pc) =	sbr.rel @p0 .LBB2_7-.Ltmp2, $4  }
0x11c: {  	v28 =	vmax.f32 v16, $0.0e+00;
	v24 =	vmax.f32 v23, $0.0e+00;
	v25 =	vmax.f32 v29, $0.0e+00  }
0x11d: {  	v16 =	vunpack.i.u.bf16.f32 v34;
	v15 =	vunpack.i.l.bf16.f32 v34;
	v26 =	vadd.f32 v28, v26  }
0x11e: {  	v29 =	vmax.f32 v17, $0.0e+00;
	v28 =	vmax.f32 v18, $0.0e+00;
	v23 =	vunpack.i.l.bf16.f32 v19  }
0x11f: {  	s15 =	smov.u32 s5;
	s1 =	sadd.s32 $0x40, s1;
	v27 =	vadd.f32 v29, v27;
	v18 =	vunpack.i.u.bf16.f32 v30;
	v17 =	vunpack.i.l.bf16.f32 v30  }
0x120: {  	v29 =	vunpack.i.l.bf16.f32 v14;
	v3 =	vadd.f32 v28, v3  }
0x121: {  	v25 =	vadd.f32 v25, v26;
	v56 =	vunpack.i.l.bf16.f32 v22;
	v16 =	vadd.f32 v18, v16  }
0x122: {  	v4 =	vunpack.i.u.bf16.f32 v4;
	v15 =	vadd.f32 v17, v15;
	v11 =	vadd.f32 v29, v11  }
0x123: {  	v14 =	vunpack.i.u.bf16.f32 v14;
	v24 =	vadd.f32 v24, v27;
	v20 =	vadd.f32 v56, v20  }
0x124: {  	v10 =	vunpack.i.u.bf16.f32 v10;
	v4 =	vadd.f32 v14, v4;
	v3 =	vadd.f32 v12, v3  }
0x125: {  	v12 =	vunpack.i.u.bf16.f32 v19;
	v19 =	vadd.f32 v23, v21;
	v11 =	vmax.f32 v11, $0.0e+00  }
0x126: {  	v10 =	vadd.f32 v12, v10;
	v12 =	vmax.f32 v16, $0.0e+00;
	v4 =	vmax.f32 v4, $0.0e+00  }
0x127: {  	v9 =	vadd.f32 v11, v9;
	v11 =	vunpack.i.u.bf16.f32 v13;
	v13 =	vunpack.i.u.bf16.f32 v22  }
0x128: {  	v12 =	vadd.f32 v12, v25;
	v11 =	vadd.f32 v13, v11;
	v13 =	vmax.f32 v15, $0.0e+00  }
0x129: {  	v14 =	vmax.f32 v19, $0.0e+00;
	v10 =	vmax.f32 v10, $0.0e+00;
	v13 =	vadd.f32 v13, v24  }
0x12a: {  	v3 =	vadd.f32 v4, v3;
	v4 =	vmax.f32 v20, $0.0e+00;
	v10 =	vadd.f32 v10, v12  }
0x12b: {  	v4 =	vadd.f32 v4, v9;
	v9 =	vmax.f32 v11, $0.0e+00;
	v12 =	vadd.f32 v14, v13  }
0x12c: {  	v7 =	vmul.f32 $1.999999960e-02, v7;
	v6 =	vmul.f32 $1.999999960e-02, v6;
	v3 =	vadd.f32 v9, v3  }
0x12d: {  	v10 =	vmul.f32 $1.999999960e-02, v10;
	v9 =	vmul.f32 $1.999999960e-02, v12  }
0x12e: {  	s0 =	sshll.u32 s22, $0x6;
	v6 =	vpack.i.f32.bf16 v6, v7;
	v4 =	vmul.f32 $1.999999960e-02, v4;
	v3 =	vmul.f32 $1.999999960e-02, v3  }
0x12f: {  	v5 =	vmul.f32 $1.999999960e-02, v5;
	v7 =	vmul.f32 $1.999999960e-02, v8;
	[tilespmem:s0+$0xAD80] =	vst v6;
	v9 =	vpack.i.f32.bf16 v10, v9  }
0x130: {  	v3 =	vpack.i.f32.bf16 v3, v4;
	[tilespmem:s0+$0x9D80] =	vst v9  }
0x131: {  	s1 =	simm.s32 $0x38;
	[tilespmem:s0+$0x9D90] =	vst v3;
	v3 =	vpack.i.f32.bf16 v7, v5  }
0x132: {  	s5 =	sand.u32 $0x70, s1;
	[tilespmem:s0+$0xAD90] =	vst v3  }
0x133: {  	v3 =	vld.idx.msk [tilespmem:v2+s5+$0x0 ss:$0x1], $0xffff  }
0x134: {  	s6 =	simm.s32 $0x86B0  }
0x135: {  	s7 =	simm.s32 $0x38;
	v4 =	vld [tilespmem:s6+$0xFFFFFFF0]  }
0x136: {  	s1 =	sand.u32 $0xE, s1;
	s5 =	sand.u32 $0xFFFFFFF0, s7;
	v6 =	vld [tilespmem:s6+$0x0]  }
0x137: {  	v5 =	vmov s1;
	v7 =	vld [tilespmem:s6+$0xFFFFFFD0];
	s5 =	ssub.s32 $0x36, s5  }
0x138: {  	s17 =	simm.s32 $0x6AB0;
	v9 =	vld [tilespmem:s6+$0xFFFFFFE0];
	s15 =	sadd.s32 $0x3, s5;
	v5 =	vperm.xlane v3, v5  }
0x139: {  	v11 =	vld [tilespmem:s17+$0xFFFFFFF0];
	v8 =	vmov s15  }
0x13a: {  	v13 =	vld [tilespmem:s17+$0xFFFFFFD0];
	v8 =	vadd.s32 $0x10, v8;
	v10 =	vadd.s32 v0, v5  }
0x13b: {  	v19 =	vimm.f32 $0.0e+00;
	s1 =	simm.s32 $0x3A;
	v14 =	vld [tilespmem:s17+$0xFFFFFFE0];
	v3 =	vperm.xlane v3, v8;
	v16 =	vunpack.i.u.bf16.f32 v4  }
0x13c: {  	s20 =	sand.u32 $0x70, s1;
	v18 =	vunpack.i.l.bf16.f32 v4;
	v4 =	vunpack.i.l.bf16.f32 v6;
	v5 =	vadd.s32 v1, v5  }
0x13d: {  	v17 =	vld.idx.msk [tilespmem:v2+s20+$0x0 ss:$0x1], $0xffff;
	s15 =	simm.s32 $0x3A;
	v20 =	vunpack.i.u.bf16.f32 v7;
	v7 =	vunpack.i.l.bf16.f32 v7;
	v15 =	vadd.s32 v1, v3  }
0x13e: {  	s22 =	sand.u32 $0xFFFFFFF0, s15;
	v8 =	vld [tilespmem:s17+$0x0];
	v23 =	vunpack.i.u.bf16.f32 v9;
	v57 =	vunpack.i.l.bf16.f32 v9;
	v12 =	vadd.s32 v0, v3  }
0x13f: {  	s5 =	ssub.s32 $0x38, s22;
	v22 =	vunpack.i.l.bf16.f32 v11;
	v59 =	vunpack.i.u.bf16.f32 v13;
	v3 =	vunpack.i.u.bf16.f32 v6;
	v6 =	vld.idx.msk [tilespmem:v10+s18+$0x0], $0xffff  }
0x140: {  	v13 =	vunpack.i.l.bf16.f32 v13;
	v61 =	vunpack.i.u.bf16.f32 v14;
	s5 =	sadd.s32 $0x3, s5;
	v7 =	vadd.f32 v7, v19  }
0x141: {  	v14 =	vunpack.i.l.bf16.f32 v14;
	v20 =	vadd.f32 v20, v19;
	v21 =	vmov s5;
	v5 =	vld.idx.msk [tilespmem:v5+s18+$0x0], $0xffff  }
0x142: {  	s23 =	sand.u32 $0xE, s1;
	v9 =	vadd.s32 $0x10, v21;
	v21 =	vunpack.i.u.bf16.f32 v11;
	v7 =	vadd.f32 v18, v7;
	v15 =	vld.idx.msk [tilespmem:v15+s18+$0x0], $0xffff  }
0x143: {  	v18 =	vadd.f32 v57, v19;
	v60 =	vunpack.i.u.bf16.f32 v8;
	v10 =	vmov s23;
	v58 =	vld.idx.msk [tilespmem:v12+s18+$0x0], $0xffff  }
0x144: {  	v12 =	vperm.xlane v17, v10;
	v10 =	vperm.xlane v17, v9;
	v9 =	vunpack.i.l.bf16.f32 v6  }
0x145: {  	v8 =	vunpack.i.l.bf16.f32 v8;
	v6 =	vunpack.i.u.bf16.f32 v6;
	v9 =	vadd.f32 v9, v13  }
0x146: {  	v6 =	vadd.f32 v6, v59;
	v13 =	vunpack.i.u.bf16.f32 v5;
	v5 =	vunpack.i.l.bf16.f32 v5  }
0x147: {  	v62 =	vunpack.i.u.bf16.f32 v15;
	v5 =	vadd.f32 v5, v14;
	v17 =	vadd.f32 v13, v61  }
0x148: {  	v13 =	vunpack.i.u.bf16.f32 v58;
	v14 =	vunpack.i.l.bf16.f32 v58;
	v9 =	vmax.f32 v9, $0.0e+00  }
0x149: {  	s17 =	simm.s32 $0x86F0;
	v14 =	vadd.f32 v14, v22;
	v21 =	vadd.f32 v13, v21;
	v13 =	vunpack.i.l.bf16.f32 v15  }
0x14a: {  	v6 =	vmax.f32 v6, $0.0e+00;
	v22 =	vadd.f32 v13, v8;
	v13 =	vld [tilespmem:s17+$0xFFFFFFF0];
	v8 =	vadd.f32 v9, v19  }
0x14b: {  	v25 =	vadd.f32 v62, v60;
	v6 =	vadd.f32 v6, v19;
	v9 =	vld [tilespmem:s17+$0x0];
	v15 =	vmax.f32 v14, $0.0e+00  }
0x14c: {  	v63 =	vmax.f32 v5, $0.0e+00;
	v21 =	vmax.f32 v21, $0.0e+00;
	v14 =	vld [tilespmem:s17+$0xFFFFFFD0];
	v5 =	vadd.f32 v15, v8  }
0x14d: {  	s5 =	simm.s32 $0x6AF0;
	v17 =	vmax.f32 v17, $0.0e+00;
	v6 =	vadd.f32 v21, v6;
	v15 =	vld [tilespmem:s17+$0xFFFFFFE0];
	v8 =	vadd.f32 v16, v20  }
0x14e: {  	v11 =	vadd.s32 v0, v12;
	v16 =	vld [tilespmem:s5+$0xFFFFFFF0];
	v20 =	vadd.f32 v63, v19;
	v21 =	vadd.f32 v17, v19  }
0x14f: {  	v22 =	vmax.f32 v22, $0.0e+00;
	v17 =	vld [tilespmem:s5+$0x0];
	v19 =	vadd.f32 v23, v19;
	v23 =	vmax.f32 v25, $0.0e+00  }
.LBB2_9:
0x150: {  	v24 =	vld [tilespmem:s5+$0xFFFFFFD0];
	v12 =	vadd.s32 v1, v12;
	v20 =	vadd.f32 v22, v20;
	v21 =	vadd.f32 v23, v21;
	s6 =	smov.u32 s1;
	s1 =	sadd.s32 $0x2, s1  }
0x151: {  	v23 =	vadd.s32 v0, v10;
	s15 =	sadd.s32 $0x2, s15;
	s7 =	sand.u32 $0x70, s1;
	p0 =	slt.u32 s1, $0x68;
	v22 =	vld [tilespmem:s5+$0xFFFFFFE0];
	v18 =	vadd.f32 v4, v18;
	v19 =	vadd.f32 v3, v19  }
0x152: {  	v26 =	vunpack.i.u.bf16.f32 v13;
	v10 =	vadd.s32 v1, v10;
	s20 =	sand.u32 $0xFFFFFFF0, s15;
	v25 =	vld.idx.msk [tilespmem:v2+s7+$0x0 ss:$0x1], $0xffff  }
0x153: {  	v28 =	vunpack.i.l.bf16.f32 v13;
	v3 =	vunpack.i.u.bf16.f32 v9;
	v4 =	vunpack.i.l.bf16.f32 v9;
	s6 =	ssub.s32 s6, s20;
	v27 =	vld.idx.msk [tilespmem:v11+s18+$0x0], $0xffff  }
0x154: {  	v29 =	vunpack.i.u.bf16.f32 v14;
	v14 =	vunpack.i.l.bf16.f32 v14;
	s7 =	sand.u32 $0xE, s1;
	v30 =	vunpack.i.u.bf16.f32 v15;
	s6 =	sadd.s32 $0x3, s6  }
0x155: {  	v31 =	vunpack.i.l.bf16.f32 v15;
	v9 =	vmov s7;
	v11 =	vmov s6;
	v13 =	vld.idx.msk [tilespmem:v12+s18+$0x0], $0xffff  }
0x156: {  	v15 =	vunpack.i.u.bf16.f32 v16;
	v16 =	vunpack.i.l.bf16.f32 v16;
	v11 =	vadd.s32 $0x10, v11;
	v23 =	vld.idx.msk [tilespmem:v23+s18+$0x0], $0xffff  }
0x157: {  	v33 =	vunpack.i.u.bf16.f32 v17;
	v17 =	vunpack.i.l.bf16.f32 v17;
	v32 =	vunpack.i.u.bf16.f32 v24;
	v34 =	vld.idx.msk [tilespmem:v10+s18+$0x0], $0xffff  }
0x158: {  	v12 =	vperm.xlane v25, v9;
	v9 =	vunpack.i.l.bf16.f32 v24;
	v24 =	vunpack.i.u.bf16.f32 v22  }
0x159: {  	v10 =	vperm.xlane v25, v11;
	v22 =	vunpack.i.l.bf16.f32 v22;
	v25 =	vunpack.i.l.bf16.f32 v27  }
0x15a: {  	v27 =	vunpack.i.u.bf16.f32 v27;
	v11 =	vadd.s32 v0, v12;
	v9 =	vadd.f32 v25, v9  }
0x15b: {  	v25 =	vadd.f32 v27, v32;
	v27 =	vunpack.i.u.bf16.f32 v13;
	v13 =	vunpack.i.l.bf16.f32 v13  }
0x15c: {  	v9 =	vmax.f32 v9, $0.0e+00;
	v22 =	vadd.f32 v13, v22;
	v24 =	vadd.f32 v27, v24  }
0x15d: {  	v13 =	vunpack.i.u.bf16.f32 v23;
	v23 =	vunpack.i.l.bf16.f32 v23;
	v27 =	vunpack.i.u.bf16.f32 v34  }
0x15e: {  	v16 =	vadd.f32 v23, v16;
	v15 =	vadd.f32 v13, v15;
	v13 =	vunpack.i.l.bf16.f32 v34  }
0x15f: {  	s17 =	sadd.s32 $0x40, s17;
	v23 =	vmax.f32 v25, $0.0e+00;
	v17 =	vadd.f32 v13, v17;
	v25 =	vadd.f32 v27, v33  }
0x160: {  	v5 =	vadd.f32 v9, v5;
	v6 =	vadd.f32 v23, v6;
	v16 =	vmax.f32 v16, $0.0e+00;
	v13 =	vld [tilespmem:s17+$0xFFFFFFF0]  }
.Ltmp3:
0x161: {  	v7 =	vadd.f32 v14, v7;
	v8 =	vadd.f32 v29, v8;
	v15 =	vmax.f32 v15, $0.0e+00;
	v9 =	vld [tilespmem:s17+$0x0];
	(pc) =	sbr.rel @p0 .LBB2_9-.Ltmp3, $4  }
0x162: {  	v22 =	vmax.f32 v22, $0.0e+00;
	v5 =	vadd.f32 v16, v5;
	v6 =	vadd.f32 v15, v6;
	v14 =	vld [tilespmem:s17+$0xFFFFFFD0]  }
0x163: {  	s5 =	sadd.s32 $0x40, s5;
	v7 =	vadd.f32 v28, v7;
	v8 =	vadd.f32 v26, v8;
	v23 =	vmax.f32 v24, $0.0e+00;
	v15 =	vld [tilespmem:s17+$0xFFFFFFE0]  }
0x164: {  	v20 =	vadd.f32 v22, v20;
	v21 =	vadd.f32 v23, v21;
	v22 =	vmax.f32 v17, $0.0e+00;
	v16 =	vld [tilespmem:s5+$0xFFFFFFF0]  }
0x165: {  	v18 =	vadd.f32 v31, v18;
	v19 =	vadd.f32 v30, v19;
	v23 =	vmax.f32 v25, $0.0e+00;
	v17 =	vld [tilespmem:s5+$0x0]  }
0x166: {  	v2 =	vadd.s32 v1, v12  }
0x167: {  	v24 =	vadd.s32 v0, v10;
	v20 =	vadd.f32 v22, v20;
	v21 =	vadd.f32 v23, v21  }
0x168: {  	v41 =	vadd.s32 v1, v10;
	v42 =	vunpack.i.u.bf16.f32 v13;
	v43 =	vunpack.i.l.bf16.f32 v13  }
0x169: {  	v39 =	vld [tilespmem:s5+$0xFFFFFFD0];
	v44 =	vunpack.i.u.bf16.f32 v9;
	v60 =	vunpack.i.l.bf16.f32 v9;
	v4 =	vadd.f32 v4, v18  }
0x16a: {  	v11 =	vld.idx.msk [tilespmem:v11+s18+$0x0], $0xffff;
	v3 =	vadd.f32 v3, v19;
	v45 =	vunpack.i.u.bf16.f32 v14;
	v46 =	vunpack.i.l.bf16.f32 v14  }
0x16b: {  	v25 =	vunpack.i.u.bf16.f32 v15;
	v47 =	vunpack.i.l.bf16.f32 v15;
	v7 =	vadd.f32 v46, v7  }
0x16c: {  	v40 =	vld [tilespmem:s5+$0xFFFFFFE0];
	v8 =	vadd.f32 v45, v8;
	v26 =	vunpack.i.u.bf16.f32 v16;
	v48 =	vunpack.i.l.bf16.f32 v16  }
0x16d: {  	v4 =	vadd.f32 v47, v4;
	v3 =	vadd.f32 v25, v3;
	v28 =	vunpack.i.u.bf16.f32 v17  }
0x16e: {  	v7 =	vadd.f32 v43, v7;
	v8 =	vadd.f32 v42, v8;
	v2 =	vld.idx.msk [tilespmem:v2+s18+$0x0], $0xffff;
	v27 =	vunpack.i.u.bf16.f32 v39  }
0x16f: {  	v24 =	vld.idx.msk [tilespmem:v24+s18+$0x0], $0xffff;
	v12 =	vunpack.i.l.bf16.f32 v39;
	v30 =	vunpack.i.l.bf16.f32 v11;
	v11 =	vunpack.i.u.bf16.f32 v11  }
0x170: {  	v49 =	vunpack.i.l.bf16.f32 v17;
	v10 =	vld.idx.msk [tilespmem:v41+s18+$0x0], $0xffff;
	v12 =	vadd.f32 v30, v12;
	v11 =	vadd.f32 v11, v27  }
0x171: {  	v29 =	vunpack.i.u.bf16.f32 v40;
	v22 =	vunpack.i.l.bf16.f32 v40;
	v4 =	vadd.f32 v60, v4  }
0x172: {  	v7 =	vmul.f32 $1.999999960e-02, v7;
	v12 =	vmax.f32 v12, $0.0e+00;
	v11 =	vmax.f32 v11, $0.0e+00  }
0x173: {  	v5 =	vadd.f32 v12, v5;
	v6 =	vadd.f32 v11, v6;
	v50 =	vunpack.i.u.bf16.f32 v2  }
0x174: {  	v2 =	vunpack.i.l.bf16.f32 v2;
	v52 =	vunpack.i.u.bf16.f32 v24;
	v24 =	vunpack.i.l.bf16.f32 v24  }
0x175: {  	v53 =	vunpack.i.u.bf16.f32 v10;
	v2 =	vadd.f32 v2, v22;
	v16 =	vadd.f32 v24, v48  }
0x176: {  	v10 =	vunpack.i.l.bf16.f32 v10;
	v51 =	vadd.f32 v50, v29;
	v54 =	vadd.f32 v52, v26  }
0x177: {  	v10 =	vadd.f32 v10, v49;
	v55 =	vadd.f32 v53, v28;
	v56 =	vmax.f32 v16, $0.0e+00  }
0x178: {  	v57 =	vmax.f32 v54, $0.0e+00;
	v2 =	vmax.f32 v2, $0.0e+00;
	v58 =	vmax.f32 v51, $0.0e+00  }
0x179: {  	v10 =	vmax.f32 v10, $0.0e+00;
	v2 =	vadd.f32 v2, v20;
	v11 =	vadd.f32 v58, v21  }
0x17a: {  	v59 =	vmax.f32 v55, $0.0e+00;
	v5 =	vadd.f32 v56, v5;
	v6 =	vadd.f32 v57, v6  }
0x17b: {  	s19 =	sadd.s32 $0x1, s19;
	v8 =	vmul.f32 $1.999999960e-02, v8;
	v2 =	vadd.f32 v10, v2;
	v61 =	vadd.f32 v59, v11  }
0x17c: {  	p0 =	sne.s32 s19, $0x20;
	v3 =	vadd.f32 v44, v3;
	v5 =	vmul.f32 $1.999999960e-02, v5;
	v6 =	vmul.f32 $1.999999960e-02, v6  }
.Ltmp4:
0x17d: {  	v63 =	vpack.i.f32.bf16 v8, v7;
	v2 =	vmul.f32 $1.999999960e-02, v2;
	v62 =	vmul.f32 $1.999999960e-02, v61;
	(pc) =	sbr.rel @p0 .LBB2_2-.Ltmp4, $4  }
0x17e: {  	v4 =	vmul.f32 $1.999999960e-02, v4;
	v3 =	vmul.f32 $1.999999960e-02, v3;
	[tilespmem:s0+$0xADA0] =	vst v63;
	v5 =	vpack.i.f32.bf16 v6, v5  }
0x17f: {  	[tilespmem:s0+$0x9DA0] =	vst v5;
	v2 =	vpack.i.f32.bf16 v62, v2  }
0x180: {  	[tilespmem:s0+$0x9DB0] =	vst v2;
	v2 =	vpack.i.f32.bf16 v3, v4  }
0x181: {  	[tilespmem:s0+$0xADB0] =	vst v2  }
0x182: {  	_ =	swait.ge [sflag:s31], $0x1000  }
0x183: {  	[sflag:s31] =	ssyncset.done $0x0  }
0x184: {  	s6 =	simm.s32 $0x8D80;
	[sflag:s31] =	ssyncadd.s32 $0xFFFFF000  }
0x185: {  	[hbm4b:s10+s2] =	stream.linear.scatter [tilespmem:s6], [sflag:$0x6], $0x1000, $0x38;
	[tilespmem:$0xBD80] =	vst v63  }
0x186: {  	_ =	swait.ge [sflag:s14], $0x1000  }
0x187: {  	[sflag:s14] =	ssyncset.done $0x0  }
0x188: {  	s0 =	simm.s32 $0x9D80;
	[sflag:s14] =	ssyncadd.s32 $0xFFFFF000  }
0x189: {  	[hbm4b:s11+s2] =	stream.linear.scatter [tilespmem:s0], [sflag:$0x6], $0x1000, $0x38;
	[tilespmem:$0xBD80] =	vst v63  }
0x18a: {  	s16 =	sadd.s32 $0x1, s16;
	_ =	swait.ge [sflag:s14], $0x1000  }
0x18b: {  	p0 =	sne.s32 s16, s13;
	[sflag:s14] =	ssyncset.done $0x0  }
.Ltmp5:
0x18c: {  	s23 =	simm.s32 $0xAD80;
	[sflag:s14] =	ssyncadd.s32 $0xFFFFF000;
	(pc) =	sbr.rel @p0 .LBB2_1-.Ltmp5, $4  }
0x18d: {  	[hbm4b:s12+s2] =	stream.linear.scatter [tilespmem:s23], [sflag:$0x6], $0x1000, $0x38;
	[tilespmem:$0xBD80] =	vst v63  }
0x18e: {  	_ =	swait.ge [sflag:s14], $0x1000  }
0x18f: {  	[sflag:s14] =	ssyncset.done $0x0  }
0x190: {  	[sflag:s14] =	ssyncadd.s32 $0xFFFFF000  }
0x191: {  	_ =	sfence.sel $0x180000  }
0x192: {  	[bflag:$0x0] =	sbarrier.arrive $0xFFFF  }
0x193: {  	_ =	strace $0x90000047  }
0x194: {  	s0 =	stileid.u32;
	[bflag:$0x2] =	sbarrier.arrive $0xFFFF  }
0x195: {  	p0 =	sne.s32 s0, $0x0;
	s0 =	rddreg [dreg:$0x3]  }
0x196: {  	s0 =	sadd.s32 @!p0 $0x100000, s0  }
0x197: {  	[sflag:s0] =	ssyncadd.tile.s32 @!p0 $0x1;
	_ =	shalt  }
.Lfunc_end2:
_tile_overlayer_lowered:
.L_overlay_start_2:
0x198: {  	(tag) =	ssettag $0x2  }
0x199: {  	s0 =	rddreg [dreg:$0x0];
	s2 =	stileid.u32  }
0x19a: {  	s1 =	rddreg [dreg:$0x1];
	p0 =	sne.s32 s2, $0x0  }
0x19b: {  	s3 =	rddreg [dreg:$0x2];
	[bflag:$0x3] =	sbarrier.arrive $0xFFFF;
	s2 =	simm.s32 @!p0 $0x1C06  }
0x19c: {  	[timem:s3], [sflag:s2] =	dma.local @!p0 [hbm:s0], s1  }
0x19d: {  	s0 =	simm.s32 @!p0 $0x6  }
0x19e: {  	_ =	swait.ge @!p0 [sflag:s0], s1  }
0x19f: {  	s1 =	ssub.s32 @!p0 $0x0, s1;
	[sflag:s0] =	ssyncset.done @!p0 $0x0  }
0x1a0: {  	[sflag:s0] =	ssyncadd.s32 @!p0 s1  }
0x1a1: {  	[bflag:$0x3] =	sbarrier.arrive $0xFFFF  }
0x1a2: {  	_ =	shalt  }

</sc_bundles>
